<compile_context>
chip_gen: v7x
topology: tpu7x:2x2x1
jax: 0.10.2.dev20260603
libtpu: 0.0.44.dev20260713+nightly
codegen_flags: <defaults>
</compile_context>

<pallas_src>
import functools
import jax
import jax.numpy as jnp
from jax import lax
from jax.experimental import pallas as pl
from jax.experimental.pallas import tpu as pltpu
from jax.experimental.pallas import tpu_sc as plsc

VOCAB_N = 1_000_000
BATCH_N = 16384
HIST_N = 200
TOTAL_ITEMS = BATCH_N * HIST_N

NUM_CORES = 2
NUM_SUBCORES = 16
NW = NUM_CORES * NUM_SUBCORES
ITEMS_PER_W = TOTAL_ITEMS // NW
CLIENTS_PER_W = BATCH_N // NW

CHUNK = 12_800
N_CHUNKS = ITEMS_PER_W // CHUNK

STAGE_PER_SUB = 62_496
STAGE_CHUNK = 15_624
N_STAGE = STAGE_PER_SUB // STAGE_CHUNK
STAGE_TAIL = VOCAB_N - NUM_SUBCORES * STAGE_PER_SUB

_mesh = plsc.VectorSubcoreMesh(core_axis_name="c", subcore_axis_name="s")


@functools.partial(
    pl.kernel,
    out_type=(
        jax.ShapeDtypeStruct((BATCH_N,), jnp.float32),
        jax.ShapeDtypeStruct((TOTAL_ITEMS,), jnp.float32),
    ),
    mesh=_mesh,
    scratch_types=[
        pltpu.VMEM_SHARED((VOCAB_N,), jnp.float32),
        pltpu.VMEM((CHUNK,), jnp.int32),
        pltpu.VMEM((CHUNK,), jnp.int32),
        pltpu.VMEM((CHUNK,), jnp.float32),
        pltpu.VMEM((CHUNK,), jnp.float32),
        pltpu.VMEM((CLIENTS_PER_W,), jnp.int32),
        pltpu.VMEM((CLIENTS_PER_W,), jnp.float32),
        pltpu.VMEM((STAGE_CHUNK,), jnp.float32),
        pltpu.SemaphoreType.DMA,
        pltpu.SemaphoreType.DMA,
        pltpu.SemaphoreType.DMA,
        pltpu.SemaphoreType.DMA,
    ],
)
def _gather_kernel(
    item_tab_hbm,
    client_tab_hbm,
    client_ids_hbm,
    item_ids_hbm,
    out_client_hbm,
    out_items_hbm,
    item_sp,
    idx0_v,
    idx1_v,
    val0_v,
    val1_v,
    cidx_v,
    cval_v,
    stage_v,
    si0,
    si1,
    so0,
    so1,
):
    c = lax.axis_index("c")
    s = lax.axis_index("s")
    wid = s * NUM_CORES + c

    base_off = s * STAGE_PER_SUB

    @pl.loop(0, N_STAGE)
    def _st(j):
        off = base_off + j * STAGE_CHUNK
        pltpu.sync_copy(item_tab_hbm.at[pl.ds(off, STAGE_CHUNK)], stage_v)
        pltpu.sync_copy(stage_v, item_sp.at[pl.ds(off, STAGE_CHUNK)])

    @pl.when(s == 0)
    def _st_tail():
        toff = NUM_SUBCORES * STAGE_PER_SUB
        pltpu.sync_copy(
            item_tab_hbm.at[pl.ds(toff, STAGE_TAIL)],
            stage_v.at[pl.ds(0, STAGE_TAIL)],
        )
        pltpu.sync_copy(
            stage_v.at[pl.ds(0, STAGE_TAIL)],
            item_sp.at[pl.ds(toff, STAGE_TAIL)],
        )

    cbase = wid * CLIENTS_PER_W
    pltpu.sync_copy(client_ids_hbm.at[pl.ds(cbase, CLIENTS_PER_W)], cidx_v)
    pltpu.sync_copy(client_tab_hbm.at[cidx_v], cval_v)
    pltpu.sync_copy(cval_v, out_client_hbm.at[pl.ds(cbase, CLIENTS_PER_W)])

    plsc.subcore_barrier()

    base = wid * ITEMS_PER_W

    def ids_rows(i):
        return item_ids_hbm.at[pl.ds(base + i * CHUNK, CHUNK)]

    def out_rows(i):
        return out_items_hbm.at[pl.ds(base + i * CHUNK, CHUNK)]

    pltpu.async_copy(ids_rows(0), idx0_v, si0)
    pltpu.async_copy(ids_rows(1), idx1_v, si1)

    @pl.loop(0, N_CHUNKS, step=2)
    def _chunk(i):
        pltpu.make_async_copy(ids_rows(i), idx0_v, si0).wait()

        @pl.when(i > 0)
        def _wait_out0():
            pltpu.make_async_copy(val0_v, out_rows(i - 2), so0).wait()

        pltpu.sync_copy(item_sp.at[idx0_v], val0_v)
        pltpu.async_copy(val0_v, out_rows(i), so0)

        @pl.when(i + 2 < N_CHUNKS)
        def _prefetch0():
            pltpu.async_copy(ids_rows(i + 2), idx0_v, si0)

        pltpu.make_async_copy(ids_rows(i + 1), idx1_v, si1).wait()

        @pl.when(i > 0)
        def _wait_out1():
            pltpu.make_async_copy(val1_v, out_rows(i - 1), so1).wait()

        pltpu.sync_copy(item_sp.at[idx1_v], val1_v)
        pltpu.async_copy(val1_v, out_rows(i + 1), so1)

        @pl.when(i + 2 < N_CHUNKS)
        def _prefetch1():
            pltpu.async_copy(ids_rows(i + 3), idx1_v, si1)

    pltpu.make_async_copy(val0_v, out_rows(N_CHUNKS - 2), so0).wait()
    pltpu.make_async_copy(val1_v, out_rows(N_CHUNKS - 1), so1).wait()


def kernel(item_id2graph_id, client_id2graph_id, client_ids, item_ids):
    flat_items = item_ids.reshape(-1)
    out_client, out_items = _gather_kernel(
        item_id2graph_id, client_id2graph_id, client_ids, flat_items
    )
    return (out_client, out_items.reshape(BATCH_N, HIST_N))

# --- scband reference (transcript-rebuilt; emitter-appended) ---
"""Pipeline reference for scband-coles-batch-to-subgraph-converter-full-convert-meto-regular-converter-37769942401084 (READ-ONLY COPY).

The authoritative reference and input builder live on the scoring server;
editing this copy changes nothing except your own understanding.
"""

import jax, jax.numpy as jnp
import numpy as np

VOCAB = 1000000
BATCH = 16384
HIST = 200


def setup_inputs(seed: int = 0) -> dict:
    key = jax.random.key(seed)
    k1, k2, k3, k4 = jax.random.split(key, 4)
    client_ids = jax.random.randint(k1, (BATCH,), 0, VOCAB, dtype=jnp.int64 if jax.config.jax_enable_x64 else jnp.int32)
    item_ids = jax.random.randint(k2, (BATCH, HIST), 0, VOCAB, dtype=jnp.int64 if jax.config.jax_enable_x64 else jnp.int32)
    # id-map tables (module buffers loaded from disk in the original). Represented as
    # float32 tables so the lookup is a standard embedding-style gather.
    item_id2graph_id = jax.random.normal(k3, (VOCAB,), dtype=jnp.float32)
    client_id2graph_id = jax.random.normal(k4, (VOCAB,), dtype=jnp.float32)
    return {
        "item_id2graph_id": item_id2graph_id,
        "client_id2graph_id": client_id2graph_id,
        "client_ids": client_ids,
        "item_ids": item_ids,
    }


def reference(item_id2graph_id, client_id2graph_id, client_ids, item_ids):
    # graph_item_ids = self.item_id2graph_id[item_ids]
    graph_item_ids = jnp.take(item_id2graph_id, item_ids, axis=0)
    # graph_client_ids = self.client_id2graph_id[client_ids]
    graph_client_ids = jnp.take(client_id2graph_id, client_ids, axis=0)
    # Full-graph special case: subgraph.ndata['_ID'] == arange(n_nodes), so the
    # graph_id -> subgraph_id mapping is the identity. Therefore
    # subgraph_item_ids == item_id2graph_id[item_ids] == graph_item_ids.
    subgraph_item_ids = graph_item_ids
    return (graph_client_ids, subgraph_item_ids)

if __name__ == "__main__":
    import jax
    _d = setup_inputs()
    print(jax.jit(kernel)(*tuple(_d.values())))

</pallas_src>

<mosaic_0001>
#map = affine_map<(d0, d1) -> (0)>
module attributes {stable_mosaic.version = 14 : i64} {
  func.func @_gather_kernel(%arg0: i32, %arg1: i32, %arg2: memref<1000000xf32, #tpu.memory_space<hbm>>, %arg3: memref<1000000xf32, #tpu.memory_space<hbm>>, %arg4: memref<16384xi32, #tpu.memory_space<hbm>>, %arg5: memref<3276800xi32, #tpu.memory_space<hbm>>, %arg6: memref<16384xf32, #tpu.memory_space<hbm>>, %arg7: memref<3276800xf32, #tpu.memory_space<hbm>>, %arg8: memref<1000000xf32, #tpu.memory_space<vmem_shared>>, %arg9: memref<12800xi32, #tpu.memory_space<vmem>>, %arg10: memref<12800xi32, #tpu.memory_space<vmem>>, %arg11: memref<12800xf32, #tpu.memory_space<vmem>>, %arg12: memref<12800xf32, #tpu.memory_space<vmem>>, %arg13: memref<512xi32, #tpu.memory_space<vmem>>, %arg14: memref<512xf32, #tpu.memory_space<vmem>>, %arg15: memref<15624xf32, #tpu.memory_space<vmem>>, %arg16: memref<!tpu.dma_semaphore, #tpu.memory_space<semaphore_mem>>, %arg17: memref<!tpu.dma_semaphore, #tpu.memory_space<semaphore_mem>>, %arg18: memref<!tpu.dma_semaphore, #tpu.memory_space<semaphore_mem>>, %arg19: memref<!tpu.dma_semaphore, #tpu.memory_space<semaphore_mem>>) attributes {dimension_semantics = [#tpu.dimension_semantics<core_parallel>, #tpu.dimension_semantics<subcore_parallel>], iteration_bounds = array<i64: 2, 16>, scalar_prefetch = 0 : i64, scratch_operands = 12 : i64, tpu.core_type = #tpu.core_type<sc_vector_subcore>, window_params = [{transform_indices = #map}, {transform_indices = #map}, {transform_indices = #map}, {transform_indices = #map}, {transform_indices = #map}, {transform_indices = #map}]} {
    %mul3A = arith.constant 2 : i32
    %mul3A_0 = arith.muli %arg1, %mul3A : i32
    %add3A = arith.addi %mul3A_0, %arg0 : i32
    %mul3A_1 = arith.constant 62496 : i32
    %mul3A_2 = arith.muli %arg1, %mul3A_1 : i32
    %scan3A = arith.constant 0 : i32
    %scan3A_3 = arith.constant 4 : i32
    %scan3A_4 = arith.addi %scan3A, %scan3A_3 : i32
    %scan3A_5 = arith.constant 1 : i32
    scf.for %scan3A_32 = %scan3A to %scan3A_4 step %scan3A_5  : i32 {
      %mul3A_33 = arith.constant 1 : i32
      %mul3A_34 = arith.muli %scan3A_32, %mul3A_33 : i32
      %add3A_35 = arith.constant 0 : i32
      %add3A_36 = arith.addi %add3A_35, %mul3A_34 : i32
      %mul3A_37 = arith.constant 15624 : i32
      %mul3A_38 = arith.muli %add3A_36, %mul3A_37 : i32
      %add3A_39 = arith.addi %mul3A_2, %mul3A_38 : i32
      "tpu.region"() ({
        %run_scoped3A = tpu.sem_alloc : memref<!tpu.dma_semaphore, #tpu.memory_space<semaphore_mem>>
        %dma_start3A_40 = tpu.memref_slice %arg2[%add3A_39] : memref<1000000xf32, #tpu.memory_space<hbm>> -> memref<15624xf32, #tpu.memory_space<hbm>>
        %dma_start3A_41 = tpu.memref_slice %arg2[%add3A_39] : memref<1000000xf32, #tpu.memory_space<hbm>> -> memref<15624xf32, #tpu.memory_space<hbm>>
        tpu.enqueue_dma source(%dma_start3A_41 : memref<15624xf32, #tpu.memory_space<hbm>>) target(%arg15 : memref<15624xf32, #tpu.memory_space<vmem>>) target_semaphore(%run_scoped3A : memref<!tpu.dma_semaphore, #tpu.memory_space<semaphore_mem>>)
        %dma_wait3A_42 = tpu.memref_slice %arg2[%add3A_39] : memref<1000000xf32, #tpu.memory_space<hbm>> -> memref<15624xf32, #tpu.memory_space<hbm>>
        %dma_wait3A_43 = tpu.memref_slice %arg2[%add3A_39] : memref<1000000xf32, #tpu.memory_space<hbm>> -> memref<15624xf32, #tpu.memory_space<hbm>>
        tpu.wait_dma2 semaphore(%run_scoped3A : memref<!tpu.dma_semaphore, #tpu.memory_space<semaphore_mem>>) src(%dma_wait3A_43 : memref<15624xf32, #tpu.memory_space<hbm>>) dst(%arg15 : memref<15624xf32, #tpu.memory_space<vmem>>)
        tpu.yield
      }) : () -> ()
      "tpu.region"() ({
        %run_scoped3A = tpu.sem_alloc : memref<!tpu.dma_semaphore, #tpu.memory_space<semaphore_mem>>
        %dma_start3A_40 = tpu.memref_slice %arg8[%add3A_39] : memref<1000000xf32, #tpu.memory_space<vmem_shared>> -> memref<15624xf32, #tpu.memory_space<vmem_shared>>
        %dma_start3A_41 = tpu.memref_slice %arg8[%add3A_39] : memref<1000000xf32, #tpu.memory_space<vmem_shared>> -> memref<15624xf32, #tpu.memory_space<vmem_shared>>
        tpu.enqueue_dma source(%arg15 : memref<15624xf32, #tpu.memory_space<vmem>>) target(%dma_start3A_41 : memref<15624xf32, #tpu.memory_space<vmem_shared>>) target_semaphore(%run_scoped3A : memref<!tpu.dma_semaphore, #tpu.memory_space<semaphore_mem>>)
        %dma_wait3A_42 = tpu.memref_slice %arg8[%add3A_39] : memref<1000000xf32, #tpu.memory_space<vmem_shared>> -> memref<15624xf32, #tpu.memory_space<vmem_shared>>
        %dma_wait3A_43 = tpu.memref_slice %arg8[%add3A_39] : memref<1000000xf32, #tpu.memory_space<vmem_shared>> -> memref<15624xf32, #tpu.memory_space<vmem_shared>>
        tpu.wait_dma2 semaphore(%run_scoped3A : memref<!tpu.dma_semaphore, #tpu.memory_space<semaphore_mem>>) src(%arg15 : memref<15624xf32, #tpu.memory_space<vmem>>) dst(%dma_wait3A_43 : memref<15624xf32, #tpu.memory_space<vmem_shared>>)
        tpu.yield
      }) : () -> ()
    }
    %scan3A_6 = arith.constant 4 : i32
    %eq3A = arith.constant 0 : i32
    %eq3A_7 = arith.cmpi eq, %arg1, %eq3A : i32
    %convert_element_type3A = arith.extui %eq3A_7 : i1 to i32
    %cond3A = arith.constant 0 : i32
    %cond3A_8 = arith.cmpi ne, %convert_element_type3A, %cond3A : i32
    scf.if %cond3A_8 {
      "tpu.region"() ({
        %run_scoped3A = tpu.sem_alloc : memref<!tpu.dma_semaphore, #tpu.memory_space<semaphore_mem>>
        %dma_start3A_32 = arith.constant 0 : i32
        %dma_start3A_33 = tpu.memref_slice %arg15[%dma_start3A_32] : memref<15624xf32, #tpu.memory_space<vmem>> -> memref<64xf32, #tpu.memory_space<vmem>>
        %dma_start3A_34 = arith.constant 999936 : i32
        %dma_start3A_35 = tpu.memref_slice %arg2[%dma_start3A_34] : memref<1000000xf32, #tpu.memory_space<hbm>> -> memref<64xf32, #tpu.memory_space<hbm>>
        %dma_start3A_36 = arith.constant 0 : i32
        %dma_start3A_37 = tpu.memref_slice %arg15[%dma_start3A_36] : memref<15624xf32, #tpu.memory_space<vmem>> -> memref<64xf32, #tpu.memory_space<vmem>>
        %dma_start3A_38 = arith.constant 999936 : i32
        %dma_start3A_39 = tpu.memref_slice %arg2[%dma_start3A_38] : memref<1000000xf32, #tpu.memory_space<hbm>> -> memref<64xf32, #tpu.memory_space<hbm>>
        tpu.enqueue_dma source(%dma_start3A_39 : memref<64xf32, #tpu.memory_space<hbm>>) target(%dma_start3A_37 : memref<64xf32, #tpu.memory_space<vmem>>) target_semaphore(%run_scoped3A : memref<!tpu.dma_semaphore, #tpu.memory_space<semaphore_mem>>)
        %dma_wait3A_40 = arith.constant 0 : i32
        %dma_wait3A_41 = tpu.memref_slice %arg15[%dma_wait3A_40] : memref<15624xf32, #tpu.memory_space<vmem>> -> memref<64xf32, #tpu.memory_space<vmem>>
        %dma_wait3A_42 = arith.constant 999936 : i32
        %dma_wait3A_43 = tpu.memref_slice %arg2[%dma_wait3A_42] : memref<1000000xf32, #tpu.memory_space<hbm>> -> memref<64xf32, #tpu.memory_space<hbm>>
        %dma_wait3A_44 = arith.constant 0 : i32
        %dma_wait3A_45 = tpu.memref_slice %arg15[%dma_wait3A_44] : memref<15624xf32, #tpu.memory_space<vmem>> -> memref<64xf32, #tpu.memory_space<vmem>>
        %dma_wait3A_46 = arith.constant 999936 : i32
        %dma_wait3A_47 = tpu.memref_slice %arg2[%dma_wait3A_46] : memref<1000000xf32, #tpu.memory_space<hbm>> -> memref<64xf32, #tpu.memory_space<hbm>>
        tpu.wait_dma2 semaphore(%run_scoped3A : memref<!tpu.dma_semaphore, #tpu.memory_space<semaphore_mem>>) src(%dma_wait3A_47 : memref<64xf32, #tpu.memory_space<hbm>>) dst(%dma_wait3A_45 : memref<64xf32, #tpu.memory_space<vmem>>)
        tpu.yield
      }) : () -> ()
      "tpu.region"() ({
        %run_scoped3A = tpu.sem_alloc : memref<!tpu.dma_semaphore, #tpu.memory_space<semaphore_mem>>
        %dma_start3A_32 = arith.constant 0 : i32
        %dma_start3A_33 = tpu.memref_slice %arg15[%dma_start3A_32] : memref<15624xf32, #tpu.memory_space<vmem>> -> memref<64xf32, #tpu.memory_space<vmem>>
        %dma_start3A_34 = arith.constant 999936 : i32
        %dma_start3A_35 = tpu.memref_slice %arg8[%dma_start3A_34] : memref<1000000xf32, #tpu.memory_space<vmem_shared>> -> memref<64xf32, #tpu.memory_space<vmem_shared>>
        %dma_start3A_36 = arith.constant 999936 : i32
        %dma_start3A_37 = tpu.memref_slice %arg8[%dma_start3A_36] : memref<1000000xf32, #tpu.memory_space<vmem_shared>> -> memref<64xf32, #tpu.memory_space<vmem_shared>>
        %dma_start3A_38 = arith.constant 0 : i32
        %dma_start3A_39 = tpu.memref_slice %arg15[%dma_start3A_38] : memref<15624xf32, #tpu.memory_space<vmem>> -> memref<64xf32, #tpu.memory_space<vmem>>
        tpu.enqueue_dma source(%dma_start3A_39 : memref<64xf32, #tpu.memory_space<vmem>>) target(%dma_start3A_37 : memref<64xf32, #tpu.memory_space<vmem_shared>>) target_semaphore(%run_scoped3A : memref<!tpu.dma_semaphore, #tpu.memory_space<semaphore_mem>>)
        %dma_wait3A_40 = arith.constant 0 : i32
        %dma_wait3A_41 = tpu.memref_slice %arg15[%dma_wait3A_40] : memref<15624xf32, #tpu.memory_space<vmem>> -> memref<64xf32, #tpu.memory_space<vmem>>
        %dma_wait3A_42 = arith.constant 999936 : i32
        %dma_wait3A_43 = tpu.memref_slice %arg8[%dma_wait3A_42] : memref<1000000xf32, #tpu.memory_space<vmem_shared>> -> memref<64xf32, #tpu.memory_space<vmem_shared>>
        %dma_wait3A_44 = arith.constant 999936 : i32
        %dma_wait3A_45 = tpu.memref_slice %arg8[%dma_wait3A_44] : memref<1000000xf32, #tpu.memory_space<vmem_shared>> -> memref<64xf32, #tpu.memory_space<vmem_shared>>
        %dma_wait3A_46 = arith.constant 0 : i32
        %dma_wait3A_47 = tpu.memref_slice %arg15[%dma_wait3A_46] : memref<15624xf32, #tpu.memory_space<vmem>> -> memref<64xf32, #tpu.memory_space<vmem>>
        tpu.wait_dma2 semaphore(%run_scoped3A : memref<!tpu.dma_semaphore, #tpu.memory_space<semaphore_mem>>) src(%dma_wait3A_47 : memref<64xf32, #tpu.memory_space<vmem>>) dst(%dma_wait3A_45 : memref<64xf32, #tpu.memory_space<vmem_shared>>)
        tpu.yield
      }) : () -> ()
    } else {
    }
    %mul3A_9 = arith.constant 512 : i32
    %mul3A_10 = arith.muli %add3A, %mul3A_9 : i32
    "tpu.region"() ({
      %run_scoped3A = tpu.sem_alloc : memref<!tpu.dma_semaphore, #tpu.memory_space<semaphore_mem>>
      %dma_start3A_32 = tpu.memref_slice %arg4[%mul3A_10] : memref<16384xi32, #tpu.memory_space<hbm>> -> memref<512xi32, #tpu.memory_space<hbm>>
      %dma_start3A_33 = tpu.memref_slice %arg4[%mul3A_10] : memref<16384xi32, #tpu.memory_space<hbm>> -> memref<512xi32, #tpu.memory_space<hbm>>
      tpu.enqueue_dma source(%dma_start3A_33 : memref<512xi32, #tpu.memory_space<hbm>>) target(%arg13 : memref<512xi32, #tpu.memory_space<vmem>>) target_semaphore(%run_scoped3A : memref<!tpu.dma_semaphore, #tpu.memory_space<semaphore_mem>>)
      %dma_wait3A_34 = tpu.memref_slice %arg4[%mul3A_10] : memref<16384xi32, #tpu.memory_space<hbm>> -> memref<512xi32, #tpu.memory_space<hbm>>
      %dma_wait3A_35 = tpu.memref_slice %arg4[%mul3A_10] : memref<16384xi32, #tpu.memory_space<hbm>> -> memref<512xi32, #tpu.memory_space<hbm>>
      tpu.wait_dma2 semaphore(%run_scoped3A : memref<!tpu.dma_semaphore, #tpu.memory_space<semaphore_mem>>) src(%dma_wait3A_35 : memref<512xi32, #tpu.memory_space<hbm>>) dst(%arg13 : memref<512xi32, #tpu.memory_space<vmem>>)
      tpu.yield
    }) : () -> ()
    "tpu.region"() ({
      %run_scoped3A = tpu.sem_alloc : memref<!tpu.dma_semaphore, #tpu.memory_space<semaphore_mem>>
      %dma_start3A_32 = arith.constant 0 : i32
      %dma_start3A_33 = tpu.memref_slice %arg3[%dma_start3A_32] : memref<1000000xf32, #tpu.memory_space<hbm>> -> memref<1000000xf32, #tpu.memory_space<hbm>>
      tpu.enqueue_indirect_dma source(%dma_start3A_33 : memref<1000000xf32, #tpu.memory_space<hbm>>) target(%arg14 : memref<512xf32, #tpu.memory_space<vmem>>) offsets(%arg13 : memref<512xi32, #tpu.memory_space<vmem>>) semaphore(%run_scoped3A : memref<!tpu.dma_semaphore, #tpu.memory_space<semaphore_mem>>)
      %dma_wait3A_34 = arith.constant 0 : i32
      %dma_wait3A_35 = tpu.memref_slice %arg3[%dma_wait3A_34] : memref<1000000xf32, #tpu.memory_space<hbm>> -> memref<1000000xf32, #tpu.memory_space<hbm>>
      tpu.wait_indirect_dma semaphore(%run_scoped3A : memref<!tpu.dma_semaphore, #tpu.memory_space<semaphore_mem>>) src(%dma_wait3A_35 : memref<1000000xf32, #tpu.memory_space<hbm>>) dst(%arg14 : memref<512xf32, #tpu.memory_space<vmem>>)
      tpu.yield
    }) : () -> ()
    "tpu.region"() ({
      %run_scoped3A = tpu.sem_alloc : memref<!tpu.dma_semaphore, #tpu.memory_space<semaphore_mem>>
      %dma_start3A_32 = tpu.memref_slice %arg6[%mul3A_10] : memref<16384xf32, #tpu.memory_space<hbm>> -> memref<512xf32, #tpu.memory_space<hbm>>
      %dma_start3A_33 = tpu.memref_slice %arg6[%mul3A_10] : memref<16384xf32, #tpu.memory_space<hbm>> -> memref<512xf32, #tpu.memory_space<hbm>>
      tpu.enqueue_dma source(%arg14 : memref<512xf32, #tpu.memory_space<vmem>>) target(%dma_start3A_33 : memref<512xf32, #tpu.memory_space<hbm>>) target_semaphore(%run_scoped3A : memref<!tpu.dma_semaphore, #tpu.memory_space<semaphore_mem>>)
      %dma_wait3A_34 = tpu.memref_slice %arg6[%mul3A_10] : memref<16384xf32, #tpu.memory_space<hbm>> -> memref<512xf32, #tpu.memory_space<hbm>>
      %dma_wait3A_35 = tpu.memref_slice %arg6[%mul3A_10] : memref<16384xf32, #tpu.memory_space<hbm>> -> memref<512xf32, #tpu.memory_space<hbm>>
      tpu.wait_dma2 semaphore(%run_scoped3A : memref<!tpu.dma_semaphore, #tpu.memory_space<semaphore_mem>>) src(%arg14 : memref<512xf32, #tpu.memory_space<vmem>>) dst(%dma_wait3A_35 : memref<512xf32, #tpu.memory_space<hbm>>)
      tpu.yield
    }) : () -> ()
    %barrier3A = arith.constant 0 : index
    tpu.barrier barrier_id(%barrier3A)
    %mul3A_11 = arith.constant 102400 : i32
    %mul3A_12 = arith.muli %add3A, %mul3A_11 : i32
    %add3A_13 = arith.constant 0 : i32
    %add3A_14 = arith.addi %mul3A_12, %add3A_13 : i32
    %dma_start3A = tpu.memref_slice %arg5[%add3A_14] : memref<3276800xi32, #tpu.memory_space<hbm>> -> memref<12800xi32, #tpu.memory_space<hbm>>
    %dma_start3A_15 = tpu.memref_slice %arg5[%add3A_14] : memref<3276800xi32, #tpu.memory_space<hbm>> -> memref<12800xi32, #tpu.memory_space<hbm>>
    tpu.enqueue_dma source(%dma_start3A_15 : memref<12800xi32, #tpu.memory_space<hbm>>) target(%arg9 : memref<12800xi32, #tpu.memory_space<vmem>>) target_semaphore(%arg16 : memref<!tpu.dma_semaphore, #tpu.memory_space<semaphore_mem>>)
    %add3A_16 = arith.constant 12800 : i32
    %add3A_17 = arith.addi %mul3A_12, %add3A_16 : i32
    %dma_start3A_18 = tpu.memref_slice %arg5[%add3A_17] : memref<3276800xi32, #tpu.memory_space<hbm>> -> memref<12800xi32, #tpu.memory_space<hbm>>
    %dma_start3A_19 = tpu.memref_slice %arg5[%add3A_17] : memref<3276800xi32, #tpu.memory_space<hbm>> -> memref<12800xi32, #tpu.memory_space<hbm>>
    tpu.enqueue_dma source(%dma_start3A_19 : memref<12800xi32, #tpu.memory_space<hbm>>) target(%arg10 : memref<12800xi32, #tpu.memory_space<vmem>>) target_semaphore(%arg17 : memref<!tpu.dma_semaphore, #tpu.memory_space<semaphore_mem>>)
    %scan3A_20 = arith.constant 0 : i32
    %scan3A_21 = arith.constant 4 : i32
    %scan3A_22 = arith.addi %scan3A_20, %scan3A_21 : i32
    %scan3A_23 = arith.constant 1 : i32
    scf.for %scan3A_32 = %scan3A_20 to %scan3A_22 step %scan3A_23  : i32 {
      %mul3A_33 = arith.constant 2 : i32
      %mul3A_34 = arith.muli %scan3A_32, %mul3A_33 : i32
      %add3A_35 = arith.constant 0 : i32
      %add3A_36 = arith.addi %add3A_35, %mul3A_34 : i32
      %mul3A_37 = arith.constant 12800 : i32
      %mul3A_38 = arith.muli %add3A_36, %mul3A_37 : i32
      %add3A_39 = arith.addi %mul3A_12, %mul3A_38 : i32
      %dma_wait3A_40 = tpu.memref_slice %arg5[%add3A_39] : memref<3276800xi32, #tpu.memory_space<hbm>> -> memref<12800xi32, #tpu.memory_space<hbm>>
      %dma_wait3A_41 = tpu.memref_slice %arg5[%add3A_39] : memref<3276800xi32, #tpu.memory_space<hbm>> -> memref<12800xi32, #tpu.memory_space<hbm>>
      tpu.wait_dma2 semaphore(%arg16 : memref<!tpu.dma_semaphore, #tpu.memory_space<semaphore_mem>>) src(%dma_wait3A_41 : memref<12800xi32, #tpu.memory_space<hbm>>) dst(%arg9 : memref<12800xi32, #tpu.memory_space<vmem>>)
      %gt3A = arith.constant 0 : i32
      %gt3A_42 = arith.cmpi sgt, %add3A_36, %gt3A : i32
      %convert_element_type3A_43 = arith.extui %gt3A_42 : i1 to i32
      %cond3A_44 = arith.constant 0 : i32
      %cond3A_45 = arith.cmpi ne, %convert_element_type3A_43, %cond3A_44 : i32
      scf.if %cond3A_45 {
        %sub3A = arith.constant 2 : i32
        %sub3A_83 = arith.subi %add3A_36, %sub3A : i32
        %mul3A_84 = arith.constant 12800 : i32
        %mul3A_85 = arith.muli %sub3A_83, %mul3A_84 : i32
        %add3A_86 = arith.addi %mul3A_12, %mul3A_85 : i32
        %dma_wait3A_87 = tpu.memref_slice %arg7[%add3A_86] : memref<3276800xf32, #tpu.memory_space<hbm>> -> memref<12800xf32, #tpu.memory_space<hbm>>
        %dma_wait3A_88 = tpu.memref_slice %arg7[%add3A_86] : memref<3276800xf32, #tpu.memory_space<hbm>> -> memref<12800xf32, #tpu.memory_space<hbm>>
        tpu.wait_dma2 semaphore(%arg18 : memref<!tpu.dma_semaphore, #tpu.memory_space<semaphore_mem>>) src(%arg11 : memref<12800xf32, #tpu.memory_space<vmem>>) dst(%dma_wait3A_88 : memref<12800xf32, #tpu.memory_space<hbm>>)
      } else {
      }
      "tpu.region"() ({
        %run_scoped3A = tpu.sem_alloc : memref<!tpu.dma_semaphore, #tpu.memory_space<semaphore_mem>>
        %dma_start3A_83 = arith.constant 0 : i32
        %dma_start3A_84 = tpu.memref_slice %arg8[%dma_start3A_83] : memref<1000000xf32, #tpu.memory_space<vmem_shared>> -> memref<1000000xf32, #tpu.memory_space<vmem_shared>>
        tpu.enqueue_indirect_dma source(%dma_start3A_84 : memref<1000000xf32, #tpu.memory_space<vmem_shared>>) target(%arg11 : memref<12800xf32, #tpu.memory_space<vmem>>) offsets(%arg9 : memref<12800xi32, #tpu.memory_space<vmem>>) semaphore(%run_scoped3A : memref<!tpu.dma_semaphore, #tpu.memory_space<semaphore_mem>>)
        %dma_wait3A_85 = arith.constant 0 : i32
        %dma_wait3A_86 = tpu.memref_slice %arg8[%dma_wait3A_85] : memref<1000000xf32, #tpu.memory_space<vmem_shared>> -> memref<1000000xf32, #tpu.memory_space<vmem_shared>>
        tpu.wait_indirect_dma semaphore(%run_scoped3A : memref<!tpu.dma_semaphore, #tpu.memory_space<semaphore_mem>>) src(%dma_wait3A_86 : memref<1000000xf32, #tpu.memory_space<vmem_shared>>) dst(%arg11 : memref<12800xf32, #tpu.memory_space<vmem>>)
        tpu.yield
      }) : () -> ()
      %mul3A_46 = arith.constant 12800 : i32
      %mul3A_47 = arith.muli %add3A_36, %mul3A_46 : i32
      %add3A_48 = arith.addi %mul3A_12, %mul3A_47 : i32
      %dma_start3A_49 = tpu.memref_slice %arg7[%add3A_48] : memref<3276800xf32, #tpu.memory_space<hbm>> -> memref<12800xf32, #tpu.memory_space<hbm>>
      %dma_start3A_50 = tpu.memref_slice %arg7[%add3A_48] : memref<3276800xf32, #tpu.memory_space<hbm>> -> memref<12800xf32, #tpu.memory_space<hbm>>
      tpu.enqueue_dma source(%arg11 : memref<12800xf32, #tpu.memory_space<vmem>>) target(%dma_start3A_50 : memref<12800xf32, #tpu.memory_space<hbm>>) target_semaphore(%arg18 : memref<!tpu.dma_semaphore, #tpu.memory_space<semaphore_mem>>)
      %add3A_51 = arith.constant 2 : i32
      %add3A_52 = arith.addi %add3A_36, %add3A_51 : i32
      %lt3A = arith.constant 8 : i32
      %lt3A_53 = arith.cmpi slt, %add3A_52, %lt3A : i32
      %convert_element_type3A_54 = arith.extui %lt3A_53 : i1 to i32
      %cond3A_55 = arith.constant 0 : i32
      %cond3A_56 = arith.cmpi ne, %convert_element_type3A_54, %cond3A_55 : i32
      scf.if %cond3A_56 {
        %add3A_83 = arith.constant 2 : i32
        %add3A_84 = arith.addi %add3A_36, %add3A_83 : i32
        %mul3A_85 = arith.constant 12800 : i32
        %mul3A_86 = arith.muli %add3A_84, %mul3A_85 : i32
        %add3A_87 = arith.addi %mul3A_12, %mul3A_86 : i32
        %dma_start3A_88 = tpu.memref_slice %arg5[%add3A_87] : memref<3276800xi32, #tpu.memory_space<hbm>> -> memref<12800xi32, #tpu.memory_space<hbm>>
        %dma_start3A_89 = tpu.memref_slice %arg5[%add3A_87] : memref<3276800xi32, #tpu.memory_space<hbm>> -> memref<12800xi32, #tpu.memory_space<hbm>>
        tpu.enqueue_dma source(%dma_start3A_89 : memref<12800xi32, #tpu.memory_space<hbm>>) target(%arg9 : memref<12800xi32, #tpu.memory_space<vmem>>) target_semaphore(%arg16 : memref<!tpu.dma_semaphore, #tpu.memory_space<semaphore_mem>>)
      } else {
      }
      %add3A_57 = arith.constant 1 : i32
      %add3A_58 = arith.addi %add3A_36, %add3A_57 : i32
      %mul3A_59 = arith.constant 12800 : i32
      %mul3A_60 = arith.muli %add3A_58, %mul3A_59 : i32
      %add3A_61 = arith.addi %mul3A_12, %mul3A_60 : i32
      %dma_wait3A_62 = tpu.memref_slice %arg5[%add3A_61] : memref<3276800xi32, #tpu.memory_space<hbm>> -> memref<12800xi32, #tpu.memory_space<hbm>>
      %dma_wait3A_63 = tpu.memref_slice %arg5[%add3A_61] : memref<3276800xi32, #tpu.memory_space<hbm>> -> memref<12800xi32, #tpu.memory_space<hbm>>
      tpu.wait_dma2 semaphore(%arg17 : memref<!tpu.dma_semaphore, #tpu.memory_space<semaphore_mem>>) src(%dma_wait3A_63 : memref<12800xi32, #tpu.memory_space<hbm>>) dst(%arg10 : memref<12800xi32, #tpu.memory_space<vmem>>)
      %gt3A_64 = arith.constant 0 : i32
      %gt3A_65 = arith.cmpi sgt, %add3A_36, %gt3A_64 : i32
      %convert_element_type3A_66 = arith.extui %gt3A_65 : i1 to i32
      %cond3A_67 = arith.constant 0 : i32
      %cond3A_68 = arith.cmpi ne, %convert_element_type3A_66, %cond3A_67 : i32
      scf.if %cond3A_68 {
        %sub3A = arith.constant 1 : i32
        %sub3A_83 = arith.subi %add3A_36, %sub3A : i32
        %mul3A_84 = arith.constant 12800 : i32
        %mul3A_85 = arith.muli %sub3A_83, %mul3A_84 : i32
        %add3A_86 = arith.addi %mul3A_12, %mul3A_85 : i32
        %dma_wait3A_87 = tpu.memref_slice %arg7[%add3A_86] : memref<3276800xf32, #tpu.memory_space<hbm>> -> memref<12800xf32, #tpu.memory_space<hbm>>
        %dma_wait3A_88 = tpu.memref_slice %arg7[%add3A_86] : memref<3276800xf32, #tpu.memory_space<hbm>> -> memref<12800xf32, #tpu.memory_space<hbm>>
        tpu.wait_dma2 semaphore(%arg19 : memref<!tpu.dma_semaphore, #tpu.memory_space<semaphore_mem>>) src(%arg12 : memref<12800xf32, #tpu.memory_space<vmem>>) dst(%dma_wait3A_88 : memref<12800xf32, #tpu.memory_space<hbm>>)
      } else {
      }
      "tpu.region"() ({
        %run_scoped3A = tpu.sem_alloc : memref<!tpu.dma_semaphore, #tpu.memory_space<semaphore_mem>>
        %dma_start3A_83 = arith.constant 0 : i32
        %dma_start3A_84 = tpu.memref_slice %arg8[%dma_start3A_83] : memref<1000000xf32, #tpu.memory_space<vmem_shared>> -> memref<1000000xf32, #tpu.memory_space<vmem_shared>>
        tpu.enqueue_indirect_dma source(%dma_start3A_84 : memref<1000000xf32, #tpu.memory_space<vmem_shared>>) target(%arg12 : memref<12800xf32, #tpu.memory_space<vmem>>) offsets(%arg10 : memref<12800xi32, #tpu.memory_space<vmem>>) semaphore(%run_scoped3A : memref<!tpu.dma_semaphore, #tpu.memory_space<semaphore_mem>>)
        %dma_wait3A_85 = arith.constant 0 : i32
        %dma_wait3A_86 = tpu.memref_slice %arg8[%dma_wait3A_85] : memref<1000000xf32, #tpu.memory_space<vmem_shared>> -> memref<1000000xf32, #tpu.memory_space<vmem_shared>>
        tpu.wait_indirect_dma semaphore(%run_scoped3A : memref<!tpu.dma_semaphore, #tpu.memory_space<semaphore_mem>>) src(%dma_wait3A_86 : memref<1000000xf32, #tpu.memory_space<vmem_shared>>) dst(%arg12 : memref<12800xf32, #tpu.memory_space<vmem>>)
        tpu.yield
      }) : () -> ()
      %add3A_69 = arith.constant 1 : i32
      %add3A_70 = arith.addi %add3A_36, %add3A_69 : i32
      %mul3A_71 = arith.constant 12800 : i32
      %mul3A_72 = arith.muli %add3A_70, %mul3A_71 : i32
      %add3A_73 = arith.addi %mul3A_12, %mul3A_72 : i32
      %dma_start3A_74 = tpu.memref_slice %arg7[%add3A_73] : memref<3276800xf32, #tpu.memory_space<hbm>> -> memref<12800xf32, #tpu.memory_space<hbm>>
      %dma_start3A_75 = tpu.memref_slice %arg7[%add3A_73] : memref<3276800xf32, #tpu.memory_space<hbm>> -> memref<12800xf32, #tpu.memory_space<hbm>>
      tpu.enqueue_dma source(%arg12 : memref<12800xf32, #tpu.memory_space<vmem>>) target(%dma_start3A_75 : memref<12800xf32, #tpu.memory_space<hbm>>) target_semaphore(%arg19 : memref<!tpu.dma_semaphore, #tpu.memory_space<semaphore_mem>>)
      %add3A_76 = arith.constant 2 : i32
      %add3A_77 = arith.addi %add3A_36, %add3A_76 : i32
      %lt3A_78 = arith.constant 8 : i32
      %lt3A_79 = arith.cmpi slt, %add3A_77, %lt3A_78 : i32
      %convert_element_type3A_80 = arith.extui %lt3A_79 : i1 to i32
      %cond3A_81 = arith.constant 0 : i32
      %cond3A_82 = arith.cmpi ne, %convert_element_type3A_80, %cond3A_81 : i32
      scf.if %cond3A_82 {
        %add3A_83 = arith.constant 3 : i32
        %add3A_84 = arith.addi %add3A_36, %add3A_83 : i32
        %mul3A_85 = arith.constant 12800 : i32
        %mul3A_86 = arith.muli %add3A_84, %mul3A_85 : i32
        %add3A_87 = arith.addi %mul3A_12, %mul3A_86 : i32
        %dma_start3A_88 = tpu.memref_slice %arg5[%add3A_87] : memref<3276800xi32, #tpu.memory_space<hbm>> -> memref<12800xi32, #tpu.memory_space<hbm>>
        %dma_start3A_89 = tpu.memref_slice %arg5[%add3A_87] : memref<3276800xi32, #tpu.memory_space<hbm>> -> memref<12800xi32, #tpu.memory_space<hbm>>
        tpu.enqueue_dma source(%dma_start3A_89 : memref<12800xi32, #tpu.memory_space<hbm>>) target(%arg10 : memref<12800xi32, #tpu.memory_space<vmem>>) target_semaphore(%arg17 : memref<!tpu.dma_semaphore, #tpu.memory_space<semaphore_mem>>)
      } else {
      }
    }
    %scan3A_24 = arith.constant 4 : i32
    %add3A_25 = arith.constant 76800 : i32
    %add3A_26 = arith.addi %mul3A_12, %add3A_25 : i32
    %dma_wait3A = tpu.memref_slice %arg7[%add3A_26] : memref<3276800xf32, #tpu.memory_space<hbm>> -> memref<12800xf32, #tpu.memory_space<hbm>>
    %dma_wait3A_27 = tpu.memref_slice %arg7[%add3A_26] : memref<3276800xf32, #tpu.memory_space<hbm>> -> memref<12800xf32, #tpu.memory_space<hbm>>
    tpu.wait_dma2 semaphore(%arg18 : memref<!tpu.dma_semaphore, #tpu.memory_space<semaphore_mem>>) src(%arg11 : memref<12800xf32, #tpu.memory_space<vmem>>) dst(%dma_wait3A_27 : memref<12800xf32, #tpu.memory_space<hbm>>)
    %add3A_28 = arith.constant 89600 : i32
    %add3A_29 = arith.addi %mul3A_12, %add3A_28 : i32
    %dma_wait3A_30 = tpu.memref_slice %arg7[%add3A_29] : memref<3276800xf32, #tpu.memory_space<hbm>> -> memref<12800xf32, #tpu.memory_space<hbm>>
    %dma_wait3A_31 = tpu.memref_slice %arg7[%add3A_29] : memref<3276800xf32, #tpu.memory_space<hbm>> -> memref<12800xf32, #tpu.memory_space<hbm>>
    tpu.wait_dma2 semaphore(%arg19 : memref<!tpu.dma_semaphore, #tpu.memory_space<semaphore_mem>>) src(%arg12 : memref<12800xf32, #tpu.memory_space<vmem>>) dst(%dma_wait3A_31 : memref<12800xf32, #tpu.memory_space<hbm>>)
    return
  }
}

</mosaic_0001>

<sc_bundles>
// kernel: kernel.3.cloned.1.call-start
scs
__scs_entry_jumppad:
0x0: {  	(pc) =	sbr.rel $0x88, $3  }
0x1: {  	(tag) =	ssettag $0x0;
	lr =	simm.s32 $0x1  }
0x2: {  	[smem:$0x3F9D] =	sst lr;
	_ =	strace $0xD0000000  }
0x3: {  	_ = 	snop  }
0x4: {  	_ = 	snop  }
0x5: {  	_ = 	snop  }
0x6: {  	_ = 	snop  }
0x7: {  	_ = 	snop  }
__scs_overlays_trampoline_lowered:
0x8: {  	[smem:$0x3FAC] =	sst s0  }
0x9: {  	[smem:$0x3FAD] =	sst s1  }
0xa: {  	[smem:$0x3FAE] =	sst s2  }
0xb: {  	[smem:$0x3FAF] =	sst s3  }
0xc: {  	[smem:$0x3FB0] =	sst s4  }
0xd: {  	[smem:$0x3FB1] =	sst s5  }
0xe: {  	[smem:$0x3FB2] =	sst s6  }
0xf: {  	[smem:$0x3FB3] =	sst s7  }
0x10: {  	[smem:$0x3FB4] =	sst s8  }
0x11: {  	[smem:$0x3FB5] =	sst s9;
	s0 =	simm.s32 @!p0 $0x0  }
0x12: {  	s1 =	sld [smem:$0x3F9B];
	s0 =	simm.s32 @p0 $0x1  }
0x13: {  	[smem:$0x3FB6] =	sst s0;
	s0 =	simm.s32 @!p1 $0x0  }
0x14: {  	s2 =	sld [smem:$0x3F9A];
	s0 =	simm.s32 @p1 $0x1  }
0x15: {  	[smem:$0x3FB7] =	sst s0;
	s0 =	simm.s32 @!p2 $0x0  }
0x16: {  	s3 =	sld [smem:$0x3FDB];
	s0 =	simm.s32 @p2 $0x1  }
0x17: {  	s4 =	simm.s32 $0x1BF5;
	[smem:$0x3FB9] =	sst s0  }
0x18: {  	s0 =	sld [smem:$0x3F9C];
	_ =	swait.ge [sflag:s4], $0x0  }
0x19: {  	s7 =	sld [smem:$0x3F9D]  }
0x1a: {  	s8 =	sadd.s32 $0xFFFFE003, lr  }
0x1b: {  	s9 =	sadd.s32 $0xFFFFFEF7, lr;
	s5 =	simm.s32 $0xFFFFFFFF;
	p2 =	slt.u32 s8, $0xFFFFF086  }
0x1c: {  	p1 =	slt.u32 s9, $0xF7A;
	s5 =	simm.s32 @!p2 $0x0  }
0x1d: {  	s5 =	simm.s32 @p1 $0x1;
	p0 =	seq.s32 s7, s2  }
0x1e: {  	s7 =	smul.u32 @!p0 $0xF7A, s2;
	p2 =	seq.s32 @!p0 s5, $0x0  }
0x1f: {  	s9 =	smul.u32 $0xF7A, s1;
	s8 =	simm.s32 @!p0 $0x1BF5;
	p2 =	por !p2, p0  }
0x20: {  	[sflag:s8] =	ssyncset.s32 @!p0 $0xFFFFF086;
	s6 =	sadd.s32 @!p0 s3, s7;
	s7 =	simm.s32 @!p0 $0x108  }
0x21: {  	s3 =	sadd.s32 s3, s9;
	s6 =	sadd.s32 @!p0 $0x88, s6;
	s7 =	simm.s32 @p2 $0x1082  }
0x22: {  	[simem:s7], [sflag:s8] =	dma.local @!p0 [hbm:s6], $0xF7A  }
0x23: {  	s9 =	sor.u32 $0xD0000000, s2;
	s6 =	simm.s32 $0x108;
	_ =	swait.ge @!p0 [sflag:s8], $0x0  }
0x24: {  	s3 =	sadd.s32 $0x88, s3;
	s6 =	simm.s32 @!p1 $0x1082;
	[sflag:s4] =	ssyncset.s32 $0xFFFFF086  }
0x25: {  	[simem:s6], [sflag:s4] =	dma.local [hbm:s3], $0xF7A  }
0x26: {  	[smem:$0x3F9D] =	sst s1;
	(tag) =	ssettag s2;
	_ =	strace s9  }
0x27: {  	s1 =	sld [smem:$0x3FAD]  }
0x28: {  	s2 =	sld [smem:$0x3FAE]  }
0x29: {  	s4 =	sld [smem:$0x3FB0]  }
0x2a: {  	p0 =	seq.s32 s5, $0x0;
	s5 =	sld [smem:$0x3FB1]  }
0x2b: {  	s6 =	sld [smem:$0x3FB2]  }
0x2c: {  	s7 =	sld [smem:$0x3FB3]  }
0x2d: {  	s3 =	simm.s32 $0x108;
	s8 =	sld [smem:$0x3FB4]  }
0x2e: {  	s3 =	simm.s32 @!p0 $0x1082;
	s9 =	sld [smem:$0x3FB5]  }
0x2f: {  	lr =	sadd.s32 s0, s3;
	s0 =	sld [smem:$0x3FAC]  }
0x30: {  	s3 =	sld [smem:$0x3FAF]  }
0x31: {  	[smem:$0x3FB8] =	sst s10  }
0x32: {  	s10 =	sld [smem:$0x3FB6];
	_ =	sdelay $0x3  }
0x33: {  	p0 =	seq.s32 s10, $0x1;
	s10 =	sld [smem:$0x3FB8];
	_ =	sdelay $0x3  }
0x34: {  	[smem:$0x3FB8] =	sst s10  }
0x35: {  	s10 =	sld [smem:$0x3FB7];
	_ =	sdelay $0x3  }
0x36: {  	p1 =	seq.s32 s10, $0x1;
	s10 =	sld [smem:$0x3FB8];
	_ =	sdelay $0x3  }
0x37: {  	[smem:$0x3FB8] =	sst s10  }
0x38: {  	s10 =	sld [smem:$0x3FB9]  }
0x39: {  	_ = 	snop;
	(pc) =	sbr.ind lr, $3  }
0x3a: {  	_ = 	snop  }
0x3b: {  	_ = 	snop  }
0x3c: {  	p2 =	seq.s32 s10, $0x1;
	s10 =	sld [smem:$0x3FB8]  }
0x3d: {  	_ =	shalt  }
0x3e: {  	_ =	shalt  }
0x3f: {  	_ =	shalt  }
0x40: {  	_ =	shalt  }
0x41: {  	_ =	shalt  }
0x42: {  	_ =	shalt  }
0x43: {  	_ =	shalt  }
0x44: {  	_ =	shalt  }
0x45: {  	_ =	shalt  }
0x46: {  	_ =	shalt  }
0x47: {  	_ =	shalt  }
0x48: {  	_ =	shalt  }
0x49: {  	_ =	shalt  }
0x4a: {  	_ =	shalt  }
0x4b: {  	_ =	shalt  }
0x4c: {  	_ =	shalt  }
0x4d: {  	_ =	shalt  }
0x4e: {  	_ =	shalt  }
0x4f: {  	_ =	shalt  }
0x50: {  	_ =	shalt  }
0x51: {  	_ =	shalt  }
0x52: {  	_ =	shalt  }
0x53: {  	_ =	shalt  }
0x54: {  	_ =	shalt  }
0x55: {  	_ =	shalt  }
0x56: {  	_ =	shalt  }
0x57: {  	_ =	shalt  }
0x58: {  	_ =	shalt  }
0x59: {  	_ =	shalt  }
0x5a: {  	_ =	shalt  }
0x5b: {  	_ =	shalt  }
0x5c: {  	_ =	shalt  }
0x5d: {  	_ =	shalt  }
0x5e: {  	_ =	shalt  }
0x5f: {  	_ =	shalt  }
0x60: {  	_ =	shalt  }
0x61: {  	_ =	shalt  }
0x62: {  	_ =	shalt  }
0x63: {  	_ =	shalt  }
0x64: {  	_ =	shalt  }
0x65: {  	_ =	shalt  }
0x66: {  	_ =	shalt  }
0x67: {  	_ =	shalt  }
0x68: {  	_ =	shalt  }
0x69: {  	_ =	shalt  }
0x6a: {  	_ =	shalt  }
0x6b: {  	_ =	shalt  }
0x6c: {  	_ =	shalt  }
0x6d: {  	_ =	shalt  }
0x6e: {  	_ =	shalt  }
0x6f: {  	_ =	shalt  }
0x70: {  	_ =	shalt  }
0x71: {  	_ =	shalt  }
0x72: {  	_ =	shalt  }
0x73: {  	_ =	shalt  }
0x74: {  	_ =	shalt  }
0x75: {  	_ =	shalt  }
0x76: {  	_ =	shalt  }
0x77: {  	_ =	shalt  }
0x78: {  	_ =	shalt  }
0x79: {  	_ =	shalt  }
0x7a: {  	_ =	shalt  }
0x7b: {  	_ =	shalt  }
0x7c: {  	_ =	shalt  }
0x7d: {  	_ =	shalt  }
0x7e: {  	_ =	shalt  }
0x7f: {  	_ =	shalt  }
0x80: {  	_ =	shalt  }
0x81: {  	_ =	shalt  }
0x82: {  	_ =	shalt  }
0x83: {  	_ =	shalt  }
0x84: {  	_ =	shalt  }
0x85: {  	_ =	shalt  }
0x86: {  	_ =	shalt  }
0x87: {  	_ =	shalt  }
.Lfunc_end0:
.L_simem_size_0:
called_computation_lowered:
.L_overlay_start_0:
0x88: {  	s2 =	sld [smem:$0x3FD9]  }
0x89: {  	s3 =	sld [smem:$0x3FFE];
	_ =	sdelay $0x1  }
0x8a: {  	s1 =	srdreg.scid  }
0x8b: {  	s0 =	sand.u32 $0x1, s1  }
0x8c: {  	s14 =	sshll.u32 s0, $0xA;
	s2 =	sadd.s32 s3, s2  }
0x8d: {  	s2 =	sadd.s32 s2, s14  }
0x8e: {  	[smem:$0x3FC4] =	sst s2  }
0x8f: {  	_ = 	snop  }
0x90: {  	s2 =	sld [smem:$0x3FD0]  }
0x91: {  	s15 =	sld [smem:$0x3FC9]  }
0x92: {  	s4 =	sld [smem:$0x3FC8]  }
0x93: {  	s6 =	simm.s32 $0xA;
	s7 =	simm.s32 $0x10;
	s5 =	sld [smem:$0x3FC7]  }
0x94: {  	[smem:s7], [sflag:s6] =	dma.local [hbm:s2], $0x1  }
0x95: {  	_ =	swait.eq [sflag:s6], $0x1  }
0x96: {  	[sflag:s6] =	ssyncset.done $0x0  }
0x97: {  	s16 =	sld [smem:$0x10];
	[sflag:s6] =	ssyncadd.s32 $0xFFFFFFFF  }
0x98: {  	s17 =	sld [smem:$0x11];
	(tm) =	ssettm $0x1  }
0x99: {  	s18 =	sld [smem:$0x3FFB];
	_ =	sdelay $0x3  }
0x9a: {  	_ =	strace s18  }
0x9b: {  	s7 =	sld [smem:$0x3FFC];
	_ =	sdelay $0x3  }
0x9c: {  	_ =	strace s7  }
0x9d: {  	s7 =	sld [smem:$0x3FFD];
	_ =	sdelay $0x3  }
0x9e: {  	_ =	strace s7  }
0x9f: {  	_ =	strace $0x8FFFFFFF  }
0xa0: {  	s19 =	sld [smem:$0x3FDB];
	_ =	sdelay $0x1  }
0xa1: {  	s8 =	simm.s32 $_scs_section_size  }
0xa2: {  	s9 =	simm.s32 $_size__tile_overlayer_lowered;
	s10 =	simm.s32 $_tile_overlayer_lowered  }
0xa3: {  	s22 =	simm.s32 $0x1BFF;
	s21 =	sshll.u32 s10, $0x1;
	s7 =	sadd.s32 s8, s19  }
0xa4: {  	s11 =	simm.s32 $0x0;
	s20 =	sshll.u32 s9, $0x1;
	s9 =	sadd.s32 s21, s7  }
0xa5: {  	[timem:s11], [sflag:s22] =	dma.local [hbm:s9], s20  }
0xa6: {  	_ =	swait.ge [sflag:s22], s20  }
0xa7: {  	s8 =	ssub.s32 $0x0, s20;
	[sflag:s22] =	ssyncset.done $0x0  }
0xa8: {  	[sflag:s22] =	ssyncadd.s32 s8;
	_ =	sdelay $0x1  }
0xa9: {  	s23 =	simm.s32 $0x1B8B  }
0xaa: {  	_ =	swait.ge [sflag:s23], $0x1  }
0xab: {  	[sflag:s23] =	ssyncset.done $0x0  }
0xac: {  	s25 =	simm.s32 $0x1B8E;
	s24 =	sld [smem:$0x3FFE];
	[sflag:s23] =	ssyncadd.s32 $0xFFFFFFFF  }
0xad: {  	s26 =	simm.s32 $execute0_lowered;
	[smem:$0x3FD2] =	sst s25  }
0xae: {  	s9 =	sshll.u32 s26, $0x1;
	_ =	strace $0x80000046;
	[dreg:$0x1] =	wrdreg $0xFFFFFFFF  }
0xaf: {  	s28 =	simm.s32 $_size_execute0_lowered;
	s7 =	sadd.s32 s7, s9;
	[dreg:$0x0] =	wrdreg $0x0  }
0xb0: {  	s9 =	sshll.u32 s28, $0x1;
	[dreg:$0x2] =	wrdreg s7  }
0xb1: {  	[dreg:$0x3] =	wrdreg s9  }
0xb2: {  	[dreg:$0x4] =	wrdreg $0xC0  }
0xb3: {  	_ =	task [dreg:s11], $0x5FFFF  }
0xb4: {  	[dreg:$0x1] =	wrdreg $0xFFFFFFFF  }
0xb5: {  	[dreg:$0x0] =	wrdreg $0x60  }
0xb6: {  	[dreg:$0x2] =	wrdreg s15  }
0xb7: {  	[dreg:$0x3] =	wrdreg s4  }
0xb8: {  	[dreg:$0x4] =	wrdreg s5  }
0xb9: {  	[dreg:$0x5] =	wrdreg s17  }
0xba: {  	[dreg:$0x6] =	wrdreg s16  }
0xbb: {  	[dreg:$0x7] =	wrdreg s24  }
0xbc: {  	[dreg:$0x8] =	wrdreg $0x0  }
0xbd: {  	[dreg:$0x9] =	wrdreg $0x9  }
0xbe: {  	_ =	task.clear_ibuf [dreg:s11], $0xAFFFF;
	_ =	strace $0x90000046  }
0xbf: {  	s29 =	simm.s32 $0x9;
	_ =	strace $0x80000048  }
0xc0: {  	_ =	swait.ge [sflag:s29], $0x1  }
0xc1: {  	[sflag:s29] =	ssyncadd.s32 $0xFFFFFFFF  }
0xc2: {  	_ =	strace $0x90000048  }
0xc3: {  	_ =	sfence  }
0xc4: {  	s30 =	sld [smem:$0x0];
	_ =	sdelay $0x2  }
0xc5: {  	s31 =	sshll.u32 s1, $0xD;
	s1 =	sshrl.u32 s1, $0x2  }
0xc6: {  	s3 =	sand.u32 $0x4000, s31;
	s1 =	sadd.s32 s1, s30  }
0xc7: {  	s0 =	sor.u32 s3, s0;
	s1 =	sshll.u32 s1, $0x11  }
0xc8: {  	s0 =	sor.u32 s1, s0  }
0xc9: {  	s0 =	sadd.s32 $0x8F2B, s0  }
0xca: {  	[sflag:s0] =	ssyncadd.remote.s32 $0x1  }
0xcb: {  	_ =	sfence.sel $0xFFFF  }
0xcc: {  	[dreg:$0x0] =	wrdreg $0xFFFFFFFF;
	(pc) =	sbr.abs _section_cstart, $3  }
0xcd: {  	[dreg:$0x1] =	wrdreg $0xFFFFFFFF  }
0xce: {  	_ =	task.clear_ibuf [dreg:s11], $0x2FFFF;
	_ =	strace $0x9FFFFFFF  }
0xcf: {  	(tm) =	ssettm $0x7FFFFFFF  }
tec
execute0_lowered:
.L_overlay_start_1:
0x0: {  	(tag) =	ssettag $0x1  }
0x1: {  	s0 =	rddreg [dreg:$0x0]  }
0x2: {  	s1 =	rddreg [dreg:$0x1]  }
0x3: {  	s5 =	rddreg [dreg:$0x2]  }
0x4: {  	s3 =	rddreg [dreg:$0x3]  }
0x5: {  	s6 =	rddreg [dreg:$0x4]  }
0x6: {  	s7 =	rddreg [dreg:$0x5]  }
0x7: {  	s2 =	rddreg [dreg:$0x6]  }
0x8: {  	s28 =	rddreg [dreg:$0x7]  }
0x9: {  	s8 =	srdreg.scid;
	s4 =	stileid.u32  }
0xa: {  	s29 =	simm.s32 $0x200;
	p1 =	por $0x0, $0x0;
	[dreg:$0x8] =	wrdreg s1  }
0xb: {  	s1 =	simm.s32 $0x0;
	s8 =	sand.u32 $0x1, s8;
	s9 =	sshll.u32 s4, $0x1  }
0xc: {  	s10 =	sadd.s32 $0x1E840, s0;
	s16 =	sadd.s32 $0xF4200, s2;
	s12 =	smul.u32 $0xF420, s4  }
0xd: {  	s7 =	sadd.s32 $0x800, s7;
	p0 =	sne.s32 s4, $0x0;
	[smem:$0x7FF] =	sst s1  }
0xe: {  	s4 =	simm.s32 $0x5;
	s9 =	sor.u32 s8, s9;
	_ =	strace $0x80000047  }
0xf: {  	[dreg:$0x9] =	wrdreg s10;
	s11 =	sshll.u32 s9, $0x6;
	s9 =	smul.u32 $0x19000, s9  }
0x10: {  	[dreg:$0xa] =	wrdreg s16;
	s20 =	sshrl.u32 s12, $0x3;
	s22 =	sadd.s32 $0x3D08, s12  }
0x11: {  	s23 =	sadd.s32 s12, s2;
	s26 =	sadd.s32 $0x7A10, s12;
	s14 =	sadd.s32 $0xB718, s12  }
0x12: {  	s5 =	sadd.s32 s5, s11;
	s17 =	sadd.s32 s6, s11;
	[dreg:$0x10] =	wrdreg s23  }
0x13: {  	s21 =	sadd.s32 s0, s20;
	s24 =	sshrl.u32 s22, $0x3;
	[dreg:$0xb] =	wrdreg s5  }
0x14: {  	s30 =	sadd.s32 s22, s2;
	s31 =	sshrl.u32 s26, $0x3;
	[dreg:$0xc] =	wrdreg s17  }
0x15: {  	s15 =	sadd.s32 s26, s2;
	s16 =	sshrl.u32 s14, $0x3;
	[dreg:$0xf] =	wrdreg s21  }
0x16: {  	s6 =	sshrl.u32 s9, $0x3;
	s25 =	sadd.s32 s0, s24;
	[dreg:$0x12] =	wrdreg s30  }
0x17: {  	s13 =	sadd.s32 s0, s31;
	[dreg:$0x14] =	wrdreg s15;
	s0 =	sadd.s32 s0, s16  }
0x18: {  	s17 =	ssub.s32 $0x2, s8;
	s8 =	simm.s32 $0x3200;
	[dreg:$0x11] =	wrdreg s25  }
0x19: {  	s15 =	simm.s32 $0x15828;
	s18 =	sadd.s32 s3, s6;
	[dreg:$0x13] =	wrdreg s13  }
0x1a: {  	s9 =	sadd.s32 $0x640, s6;
	[dreg:$0x15] =	wrdreg s0;
	s20 =	sadd.s32 $0xC80, s6  }
0x1b: {  	s21 =	sshrl.u32 s17, $0x1;
	s24 =	sadd.s32 $0x12C0, s6;
	s26 =	sadd.s32 $0x1900, s6  }
0x1c: {  	s30 =	sadd.s32 $0x1F40, s6;
	s31 =	sadd.s32 $0x2580, s6;
	s0 =	rddreg [dreg:$0xf]  }
0x1d: {  	s13 =	simm.s32 $0x2;
	[dreg:$0xd] =	wrdreg s18;
	s19 =	sadd.s32 s3, s9  }
0x1e: {  	s18 =	sadd.s32 s14, s2;
	s22 =	sadd.s32 s3, s20;
	s23 =	sadd.s32 s7, s9  }
0x1f: {  	s5 =	ssub.s32 s17, s21;
	s25 =	sadd.s32 s3, s24;
	s21 =	sadd.s32 s7, s20  }
0x20: {  	s20 =	sadd.s32 s3, s30;
	s16 =	sadd.s32 s7, s26;
	[dreg:$0xe] =	wrdreg s19  }
0x21: {  	s11 =	sadd.s32 s7, s30;
	s14 =	simm.s32 $0xF428;
	[dreg:$0x16] =	wrdreg s18  }
0x22: {  	s17 =	simm.s32 $0x1;
	[dreg:$0x18] =	wrdreg s22;
	s10 =	smax.u32 s5, $0x1  }
0x23: {  	s9 =	simm.s32 $0x18A28;
	[dreg:$0x1a] =	wrdreg s25;
	s25 =	sadd.s32 $0xFFFFFFFF, s10  }
0x24: {  	s19 =	sadd.s32 s7, s6;
	[dreg:$0x19] =	wrdreg s23;
	p2 =	sne.s32 s25, $0x0  }
.Ltmp0:
0x25: {  	s22 =	sadd.s32 s3, s26;
	s6 =	sadd.s32 $0x2BC0, s6;
	(pc) =	sbr.rel @!p2 .LBB2_5-.Ltmp0, $4  }
0x26: {  	s18 =	sadd.s32 s3, s31;
	s5 =	sadd.s32 s7, s31;
	s26 =	simm.s32 $0x1C028  }
0x27: {  	s23 =	simm.s32 $0x1BE28;
	[dreg:$0x17] =	wrdreg s19;
	s19 =	sadd.s32 s7, s24  }
0x28: {  	s12 =	sadd.s32 s3, s6;
	s3 =	sadd.s32 s7, s6;
	s24 =	simm.s32 $0x1BC28  }
0x29: {  	s6 =	simm.s32 $0x12628;
	s10 =	simm.s32 $0x3;
	s7 =	simm.s32 $0x4  }
0x2a: {  	[tilespmem:s26], [sflag:$0x5] =	stream.linear.gather [hbm4b:s0+s1], $0x3D08, $0x38;
	[tilespmem:$0x1FDA8] =	vst v63  }
0x2b: {  	_ =	swait.ge [sflag:s4], $0x3D08  }
0x2c: {  	[sflag:s4] =	ssyncset.done $0x0  }
0x2d: {  	s0 =	rddreg [dreg:$0x10];
	[sflag:s4] =	ssyncadd.s32 $0xFFFFC2F8  }
0x2e: {  	[spmem:s0] =	stream.linear.scatter [tilespmem:s26], [sflag:$0x5], $0x3D08, $0x38;
	[tilespmem:$0x1FDA8] =	vst v63  }
0x2f: {  	_ =	swait.ge [sflag:s4], $0x3D08  }
0x30: {  	[sflag:s4] =	ssyncset.done $0x0  }
0x31: {  	s0 =	rddreg [dreg:$0x11];
	[sflag:s4] =	ssyncadd.s32 $0xFFFFC2F8  }
0x32: {  	[tilespmem:s26], [sflag:$0x5] =	stream.linear.gather [hbm4b:s0+s1], $0x3D08, $0x38;
	[tilespmem:$0x1FDA8] =	vst v63  }
0x33: {  	_ =	swait.ge [sflag:s4], $0x3D08  }
0x34: {  	[sflag:s4] =	ssyncset.done $0x0  }
0x35: {  	s0 =	rddreg [dreg:$0x12];
	[sflag:s4] =	ssyncadd.s32 $0xFFFFC2F8  }
0x36: {  	[spmem:s0] =	stream.linear.scatter [tilespmem:s26], [sflag:$0x5], $0x3D08, $0x38;
	[tilespmem:$0x1FDA8] =	vst v63  }
0x37: {  	_ =	swait.ge [sflag:s4], $0x3D08  }
0x38: {  	[sflag:s4] =	ssyncset.done $0x0  }
0x39: {  	s0 =	rddreg [dreg:$0x13];
	[sflag:s4] =	ssyncadd.s32 $0xFFFFC2F8  }
0x3a: {  	[tilespmem:s26], [sflag:$0x5] =	stream.linear.gather [hbm4b:s0+s1], $0x3D08, $0x38;
	[tilespmem:$0x1FDA8] =	vst v63  }
0x3b: {  	_ =	swait.ge [sflag:s4], $0x3D08  }
0x3c: {  	[sflag:s4] =	ssyncset.done $0x0  }
0x3d: {  	s0 =	rddreg [dreg:$0x14];
	[sflag:s4] =	ssyncadd.s32 $0xFFFFC2F8  }
0x3e: {  	[spmem:s0] =	stream.linear.scatter [tilespmem:s26], [sflag:$0x5], $0x3D08, $0x38;
	[tilespmem:$0x1FDA8] =	vst v63  }
0x3f: {  	_ =	swait.ge [sflag:s4], $0x3D08  }
0x40: {  	[sflag:s4] =	ssyncset.done $0x0  }
0x41: {  	s0 =	rddreg [dreg:$0x15];
	[sflag:s4] =	ssyncadd.s32 $0xFFFFC2F8  }
0x42: {  	[tilespmem:s26], [sflag:$0x5] =	stream.linear.gather [hbm4b:s0+s1], $0x3D08, $0x38;
	[tilespmem:$0x1FDA8] =	vst v63  }
0x43: {  	_ =	swait.ge [sflag:s4], $0x3D08  }
0x44: {  	[sflag:s4] =	ssyncset.done $0x0  }
0x45: {  	s0 =	rddreg [dreg:$0x16];
	[sflag:s4] =	ssyncadd.s32 $0xFFFFC2F8  }
0x46: {  	[spmem:s0] =	stream.linear.scatter [tilespmem:s26], [sflag:$0x5], $0x3D08, $0x38;
	[tilespmem:$0x1FDA8] =	vst v63  }
0x47: {  	s28 =	simm.s32 @!p0 $0x5;
	_ =	swait.ge [sflag:s4], $0x3D08  }
0x48: {  	s30 =	simm.s32 @!p0 $0x1C028;
	[dreg:$0x1b] =	wrdreg s25;
	[sflag:s4] =	ssyncset.done $0x0  }
0x49: {  	s25 =	simm.s32 @!p0 $0x0;
	s0 =	rddreg [dreg:$0x9];
	[sflag:s4] =	ssyncadd.s32 $0xFFFFC2F8  }
0x4a: {  	[tilespmem:s30], [sflag:$0x5] =	stream.linear.gather @!p0 [hbm4b:s0+s25], $0x40, $0x38;
	[tilespmem:$0x1FDA8] =	vst v63  }
0x4b: {  	_ =	swait.ge @!p0 [sflag:s28], $0x40  }
0x4c: {  	[sflag:s28] =	ssyncset.done @!p0 $0x0  }
0x4d: {  	s0 =	rddreg [dreg:$0xa];
	[sflag:s28] =	ssyncadd.s32 @!p0 $0xFFFFFFC0  }
0x4e: {  	[spmem:s0] =	stream.linear.scatter @!p0 [tilespmem:s30], [sflag:$0x5], $0x40, $0x38;
	[tilespmem:$0x1FDA8] =	vst v63  }
0x4f: {  	_ =	swait.ge @!p0 [sflag:s28], $0x40  }
0x50: {  	[sflag:s28] =	ssyncset.done @!p0 $0x0  }
0x51: {  	s25 =	rddreg [dreg:$0xb];
	[sflag:s28] =	ssyncadd.s32 @!p0 $0xFFFFFFC0  }
0x52: {  	[tilespmem:s24], [sflag:$0x5] =	stream.linear.gather [hbm4b:s25+s1], $0x200, $0x38;
	[tilespmem:$0x1FDA8] =	vst v63  }
0x53: {  	_ =	swait.ge [sflag:s4], $0x200  }
0x54: {  	[sflag:s4] =	ssyncset.done $0x0  }
0x55: {  	s25 =	rddreg [dreg:$0x8];
	[sflag:s4] =	ssyncadd.s32 $0xFFFFFE00  }
0x56: {  	[tilespmem:s23], [sflag:$0x5] =	stream.indirect.gather [hbm4b:s25+s29], $0x1, s24, s29, $0xb8;
	[tilespmem:$0x1FDA8] =	vst v63  }
0x57: {  	_ =	swait.ge [sflag:s4], $0x200  }
0x58: {  	[sflag:s4] =	ssyncset.done $0x0  }
0x59: {  	s25 =	rddreg [dreg:$0xc];
	[sflag:s4] =	ssyncadd.s32 $0xFFFFFE00  }
0x5a: {  	[hbm4b:s25+s1] =	stream.linear.scatter [tilespmem:s23], [sflag:$0x5], $0x200, $0x38;
	[tilespmem:$0x1FDA8] =	vst v63  }
0x5b: {  	_ =	swait.ge [sflag:s4], $0x200  }
0x5c: {  	[sflag:s4] =	ssyncset.done $0x0  }
0x5d: {  	[sflag:s4] =	ssyncadd.s32 $0xFFFFFE00  }
0x5e: {  	[bflag:$0x0] =	sbarrier.arrive $0xFFFF  }
0x5f: {  	s25 =	rddreg [dreg:$0xd]  }
0x60: {  	[tilespmem:s14], [sflag:$0x1] =	stream.linear.gather [hbm4b:s25+s1], $0x3200, $0x38;
	[tilespmem:$0x1FDA8] =	vst v63  }
0x61: {  	s31 =	rddreg [dreg:$0xe]  }
0x62: {  	[tilespmem:s6], [sflag:$0x2] =	stream.linear.gather [hbm4b:s31+s1], $0x3200, $0x38;
	[tilespmem:$0x1FDA8] =	vst v63  }
0x63: {  	_ =	swait.ge [sflag:s17], $0x3200  }
0x64: {  	[sflag:s17] =	ssyncset.done $0x0  }
0x65: {  	[sflag:s17] =	ssyncadd.s32 $0xFFFFCE00  }
0x66: {  	[tilespmem:s15], [sflag:$0x5] =	stream.indirect.gather [spmem:s2], $0x1, s14, s8, $0xb8;
	[tilespmem:$0x1FDA8] =	vst v63  }
0x67: {  	_ =	swait.ge [sflag:s4], $0x3200  }
0x68: {  	[sflag:s4] =	ssyncset.done $0x0  }
0x69: {  	s25 =	rddreg [dreg:$0x17];
	[sflag:s4] =	ssyncadd.s32 $0xFFFFCE00  }
0x6a: {  	[hbm4b:s25+s1] =	stream.linear.scatter [tilespmem:s15], [sflag:$0x3], $0x3200, $0x38;
	[tilespmem:$0x1FDA8] =	vst v63  }
0x6b: {  	s31 =	rddreg [dreg:$0x18]  }
0x6c: {  	[tilespmem:s14], [sflag:$0x1] =	stream.linear.gather [hbm4b:s31+s1], $0x3200, $0x38;
	[tilespmem:$0x1FDA8] =	vst v63  }
0x6d: {  	_ =	swait.ge [sflag:s13], $0x3200  }
0x6e: {  	[sflag:s13] =	ssyncset.done $0x0  }
0x6f: {  	[sflag:s13] =	ssyncadd.s32 $0xFFFFCE00  }
0x70: {  	[tilespmem:s9], [sflag:$0x5] =	stream.indirect.gather [spmem:s2], $0x1, s6, s8, $0xb8;
	[tilespmem:$0x1FDA8] =	vst v63  }
0x71: {  	_ =	swait.ge [sflag:s4], $0x3200  }
0x72: {  	[sflag:s4] =	ssyncset.done $0x0  }
0x73: {  	s25 =	rddreg [dreg:$0x19];
	[sflag:s4] =	ssyncadd.s32 $0xFFFFCE00  }
0x74: {  	[hbm4b:s25+s1] =	stream.linear.scatter [tilespmem:s9], [sflag:$0x4], $0x3200, $0x38;
	[tilespmem:$0x1FDA8] =	vst v63  }
0x75: {  	s31 =	rddreg [dreg:$0x1a]  }
0x76: {  	[tilespmem:s6], [sflag:$0x2] =	stream.linear.gather [hbm4b:s31+s1], $0x3200, $0x38;
	[tilespmem:$0x1FDA8] =	vst v63  }
0x77: {  	_ =	swait.ge [sflag:s17], $0x3200  }
0x78: {  	[sflag:s17] =	ssyncset.done $0x0  }
0x79: {  	[sflag:s17] =	ssyncadd.s32 $0xFFFFCE00  }
0x7a: {  	_ =	swait.ge [sflag:s10], $0x3200  }
0x7b: {  	[sflag:s10] =	ssyncset.done $0x0  }
0x7c: {  	[sflag:s10] =	ssyncadd.s32 $0xFFFFCE00  }
0x7d: {  	[tilespmem:s15], [sflag:$0x5] =	stream.indirect.gather [spmem:s2], $0x1, s14, s8, $0xb8;
	[tilespmem:$0x1FDA8] =	vst v63  }
0x7e: {  	_ =	swait.ge [sflag:s4], $0x3200  }
0x7f: {  	[sflag:s4] =	ssyncset.done $0x0  }
0x80: {  	[sflag:s4] =	ssyncadd.s32 $0xFFFFCE00  }
0x81: {  	[hbm4b:s21+s1] =	stream.linear.scatter [tilespmem:s15], [sflag:$0x3], $0x3200, $0x38;
	[tilespmem:$0x1FDA8] =	vst v63  }
0x82: {  	_ = 	snop  }
0x83: {  	[tilespmem:s14], [sflag:$0x1] =	stream.linear.gather [hbm4b:s22+s1], $0x3200, $0x38;
	[tilespmem:$0x1FDA8] =	vst v63  }
0x84: {  	_ =	swait.ge [sflag:s13], $0x3200  }
0x85: {  	[sflag:s13] =	ssyncset.done $0x0  }
0x86: {  	[sflag:s13] =	ssyncadd.s32 $0xFFFFCE00  }
0x87: {  	_ =	swait.ge [sflag:s7], $0x3200  }
0x88: {  	[sflag:s7] =	ssyncset.done $0x0  }
0x89: {  	[sflag:s7] =	ssyncadd.s32 $0xFFFFCE00  }
0x8a: {  	[tilespmem:s9], [sflag:$0x5] =	stream.indirect.gather [spmem:s2], $0x1, s6, s8, $0xb8;
	[tilespmem:$0x1FDA8] =	vst v63  }
0x8b: {  	_ =	swait.ge [sflag:s4], $0x3200  }
0x8c: {  	[sflag:s4] =	ssyncset.done $0x0  }
0x8d: {  	[sflag:s4] =	ssyncadd.s32 $0xFFFFCE00  }
0x8e: {  	[hbm4b:s19+s1] =	stream.linear.scatter [tilespmem:s9], [sflag:$0x4], $0x3200, $0x38;
	[tilespmem:$0x1FDA8] =	vst v63  }
0x8f: {  	_ = 	snop  }
0x90: {  	[tilespmem:s6], [sflag:$0x2] =	stream.linear.gather [hbm4b:s20+s1], $0x3200, $0x38;
	[tilespmem:$0x1FDA8] =	vst v63  }
0x91: {  	_ =	swait.ge [sflag:s17], $0x3200  }
0x92: {  	[sflag:s17] =	ssyncset.done $0x0  }
0x93: {  	[sflag:s17] =	ssyncadd.s32 $0xFFFFCE00  }
0x94: {  	_ =	swait.ge [sflag:s10], $0x3200  }
0x95: {  	[sflag:s10] =	ssyncset.done $0x0  }
0x96: {  	[sflag:s10] =	ssyncadd.s32 $0xFFFFCE00  }
0x97: {  	[tilespmem:s15], [sflag:$0x5] =	stream.indirect.gather [spmem:s2], $0x1, s14, s8, $0xb8;
	[tilespmem:$0x1FDA8] =	vst v63  }
0x98: {  	_ =	swait.ge [sflag:s4], $0x3200  }
0x99: {  	[sflag:s4] =	ssyncset.done $0x0  }
0x9a: {  	[sflag:s4] =	ssyncadd.s32 $0xFFFFCE00  }
0x9b: {  	[hbm4b:s16+s1] =	stream.linear.scatter [tilespmem:s15], [sflag:$0x3], $0x3200, $0x38;
	[tilespmem:$0x1FDA8] =	vst v63  }
0x9c: {  	_ = 	snop  }
0x9d: {  	[tilespmem:s14], [sflag:$0x1] =	stream.linear.gather [hbm4b:s18+s1], $0x3200, $0x38;
	[tilespmem:$0x1FDA8] =	vst v63  }
0x9e: {  	_ =	swait.ge [sflag:s13], $0x3200  }
0x9f: {  	[sflag:s13] =	ssyncset.done $0x0  }
0xa0: {  	[sflag:s13] =	ssyncadd.s32 $0xFFFFCE00  }
0xa1: {  	_ =	swait.ge [sflag:s7], $0x3200  }
0xa2: {  	[sflag:s7] =	ssyncset.done $0x0  }
0xa3: {  	[sflag:s7] =	ssyncadd.s32 $0xFFFFCE00  }
0xa4: {  	[tilespmem:s9], [sflag:$0x5] =	stream.indirect.gather [spmem:s2], $0x1, s6, s8, $0xb8;
	[tilespmem:$0x1FDA8] =	vst v63  }
0xa5: {  	_ =	swait.ge [sflag:s4], $0x3200  }
0xa6: {  	[sflag:s4] =	ssyncset.done $0x0  }
0xa7: {  	[sflag:s4] =	ssyncadd.s32 $0xFFFFCE00  }
0xa8: {  	[hbm4b:s11+s1] =	stream.linear.scatter [tilespmem:s9], [sflag:$0x4], $0x3200, $0x38;
	[tilespmem:$0x1FDA8] =	vst v63  }
0xa9: {  	_ = 	snop  }
0xaa: {  	[tilespmem:s6], [sflag:$0x2] =	stream.linear.gather [hbm4b:s12+s1], $0x3200, $0x38;
	[tilespmem:$0x1FDA8] =	vst v63  }
0xab: {  	_ =	swait.ge [sflag:s17], $0x3200  }
0xac: {  	[sflag:s17] =	ssyncset.done $0x0  }
0xad: {  	[sflag:s17] =	ssyncadd.s32 $0xFFFFCE00  }
0xae: {  	_ =	swait.ge [sflag:s10], $0x3200  }
0xaf: {  	[sflag:s10] =	ssyncset.done $0x0  }
0xb0: {  	[sflag:s10] =	ssyncadd.s32 $0xFFFFCE00  }
0xb1: {  	[tilespmem:s15], [sflag:$0x5] =	stream.indirect.gather [spmem:s2], $0x1, s14, s8, $0xb8;
	[tilespmem:$0x1FDA8] =	vst v63  }
0xb2: {  	_ =	swait.ge [sflag:s4], $0x3200  }
0xb3: {  	[sflag:s4] =	ssyncset.done $0x0  }
0xb4: {  	[sflag:s4] =	ssyncadd.s32 $0xFFFFCE00  }
0xb5: {  	[hbm4b:s5+s1] =	stream.linear.scatter [tilespmem:s15], [sflag:$0x3], $0x3200, $0x38;
	[tilespmem:$0x1FDA8] =	vst v63  }
0xb6: {  	_ =	swait.ge [sflag:s13], $0x3200  }
0xb7: {  	[sflag:s13] =	ssyncset.done $0x0  }
0xb8: {  	[sflag:s13] =	ssyncadd.s32 $0xFFFFCE00  }
0xb9: {  	_ =	swait.ge [sflag:s7], $0x3200  }
0xba: {  	[sflag:s7] =	ssyncset.done $0x0  }
0xbb: {  	[sflag:s7] =	ssyncadd.s32 $0xFFFFCE00  }
0xbc: {  	[tilespmem:s9], [sflag:$0x5] =	stream.indirect.gather [spmem:s2], $0x1, s6, s8, $0xb8;
	[tilespmem:$0x1FDA8] =	vst v63  }
0xbd: {  	_ =	swait.ge [sflag:s4], $0x3200  }
0xbe: {  	[sflag:s4] =	ssyncset.done $0x0  }
0xbf: {  	[sflag:s4] =	ssyncadd.s32 $0xFFFFCE00  }
0xc0: {  	[hbm4b:s3+s1] =	stream.linear.scatter [tilespmem:s9], [sflag:$0x4], $0x3200, $0x38;
	[tilespmem:$0x1FDA8] =	vst v63  }
0xc1: {  	_ =	swait.ge [sflag:s10], $0x3200  }
0xc2: {  	s25 =	rddreg [dreg:$0x1b]  }
0xc3: {  	s31 =	sadd.s32 $0xFFFFFFFF, s25  }
0xc4: {  	p2 =	sne.s32 s31, $0x0  }
.Ltmp1:
0xc5: {  	_ = 	snop;
	(pc) =	sbr.rel @!p2 .LBB2_2-.Ltmp1, $4  }
0xc6: {  	[sflag:s10] =	ssyncset.done $0x0  }
0xc7: {  	[sflag:s10] =	ssyncadd.s32 $0xFFFFCE00  }
0xc8: {  	p1 =	por $0x1, $0x1;
	_ =	swait.ge [sflag:s7], $0x3200  }
0xc9: {  	s29 =	simm.s32 $0x200;
	s0 =	rddreg [dreg:$0xf];
	[sflag:s7] =	ssyncset.done $0x0  }
.LBB2_3:
0xca: {  	[sflag:s7] =	ssyncadd.s32 $0xFFFFCE00  }
0xcb: {  	[tilespmem:s26], [sflag:$0x5] =	stream.linear.gather [hbm4b:s0+s1], $0x3D08, $0x38;
	[tilespmem:$0x1FDA8] =	vst v63  }
0xcc: {  	_ =	swait.ge [sflag:s4], $0x3D08  }
0xcd: {  	[sflag:s4] =	ssyncset.done $0x0  }
0xce: {  	s25 =	rddreg [dreg:$0x10];
	[sflag:s4] =	ssyncadd.s32 $0xFFFFC2F8  }
0xcf: {  	[spmem:s25] =	stream.linear.scatter [tilespmem:s26], [sflag:$0x5], $0x3D08, $0x38;
	[tilespmem:$0x1FDA8] =	vst v63  }
0xd0: {  	_ =	swait.ge [sflag:s4], $0x3D08  }
0xd1: {  	[sflag:s4] =	ssyncset.done $0x0  }
0xd2: {  	s25 =	rddreg [dreg:$0x11];
	[sflag:s4] =	ssyncadd.s32 $0xFFFFC2F8  }
0xd3: {  	[tilespmem:s26], [sflag:$0x5] =	stream.linear.gather [hbm4b:s25+s1], $0x3D08, $0x38;
	[tilespmem:$0x1FDA8] =	vst v63  }
0xd4: {  	_ =	swait.ge [sflag:s4], $0x3D08  }
0xd5: {  	[sflag:s4] =	ssyncset.done $0x0  }
0xd6: {  	s25 =	rddreg [dreg:$0x12];
	[sflag:s4] =	ssyncadd.s32 $0xFFFFC2F8  }
0xd7: {  	[spmem:s25] =	stream.linear.scatter [tilespmem:s26], [sflag:$0x5], $0x3D08, $0x38;
	[tilespmem:$0x1FDA8] =	vst v63  }
0xd8: {  	_ =	swait.ge [sflag:s4], $0x3D08  }
0xd9: {  	[sflag:s4] =	ssyncset.done $0x0  }
0xda: {  	s25 =	rddreg [dreg:$0x13];
	[sflag:s4] =	ssyncadd.s32 $0xFFFFC2F8  }
0xdb: {  	[tilespmem:s26], [sflag:$0x5] =	stream.linear.gather [hbm4b:s25+s1], $0x3D08, $0x38;
	[tilespmem:$0x1FDA8] =	vst v63  }
0xdc: {  	_ =	swait.ge [sflag:s4], $0x3D08  }
0xdd: {  	[sflag:s4] =	ssyncset.done $0x0  }
0xde: {  	s25 =	rddreg [dreg:$0x14];
	[sflag:s4] =	ssyncadd.s32 $0xFFFFC2F8  }
0xdf: {  	[spmem:s25] =	stream.linear.scatter [tilespmem:s26], [sflag:$0x5], $0x3D08, $0x38;
	[tilespmem:$0x1FDA8] =	vst v63  }
0xe0: {  	_ =	swait.ge [sflag:s4], $0x3D08  }
0xe1: {  	[sflag:s4] =	ssyncset.done $0x0  }
0xe2: {  	s25 =	rddreg [dreg:$0x15];
	[sflag:s4] =	ssyncadd.s32 $0xFFFFC2F8  }
0xe3: {  	[tilespmem:s26], [sflag:$0x5] =	stream.linear.gather [hbm4b:s25+s1], $0x3D08, $0x38;
	[tilespmem:$0x1FDA8] =	vst v63  }
0xe4: {  	_ =	swait.ge [sflag:s4], $0x3D08  }
0xe5: {  	[sflag:s4] =	ssyncset.done $0x0  }
0xe6: {  	s25 =	rddreg [dreg:$0x16];
	[sflag:s4] =	ssyncadd.s32 $0xFFFFC2F8  }
0xe7: {  	[spmem:s25] =	stream.linear.scatter [tilespmem:s26], [sflag:$0x5], $0x3D08, $0x38;
	[tilespmem:$0x1FDA8] =	vst v63  }
0xe8: {  	_ =	swait.ge [sflag:s4], $0x3D08  }
0xe9: {  	[sflag:s4] =	ssyncset.done $0x0  }
0xea: {  	s25 =	simm.s32 @!p0 $0x0;
	s0 =	rddreg [dreg:$0x9];
	[sflag:s4] =	ssyncadd.s32 $0xFFFFC2F8  }
0xeb: {  	[tilespmem:s30], [sflag:$0x5] =	stream.linear.gather @!p0 [hbm4b:s0+s25], $0x40, $0x38;
	[tilespmem:$0x1FDA8] =	vst v63  }
0xec: {  	_ =	swait.ge @!p0 [sflag:s28], $0x40  }
0xed: {  	[sflag:s28] =	ssyncset.done @!p0 $0x0  }
0xee: {  	s0 =	rddreg [dreg:$0xa];
	[sflag:s28] =	ssyncadd.s32 @!p0 $0xFFFFFFC0  }
0xef: {  	[spmem:s0] =	stream.linear.scatter @!p0 [tilespmem:s30], [sflag:$0x5], $0x40, $0x38;
	[tilespmem:$0x1FDA8] =	vst v63  }
0xf0: {  	_ =	swait.ge @!p0 [sflag:s28], $0x40  }
0xf1: {  	[sflag:s28] =	ssyncset.done @!p0 $0x0  }
0xf2: {  	s25 =	rddreg [dreg:$0xb];
	[sflag:s28] =	ssyncadd.s32 @!p0 $0xFFFFFFC0  }
0xf3: {  	[tilespmem:s24], [sflag:$0x5] =	stream.linear.gather [hbm4b:s25+s1], $0x200, $0x38;
	[tilespmem:$0x1FDA8] =	vst v63  }
0xf4: {  	_ =	swait.ge [sflag:s4], $0x200  }
0xf5: {  	[sflag:s4] =	ssyncset.done $0x0  }
0xf6: {  	s25 =	rddreg [dreg:$0x8];
	[sflag:s4] =	ssyncadd.s32 $0xFFFFFE00  }
0xf7: {  	[tilespmem:s23], [sflag:$0x5] =	stream.indirect.gather [hbm4b:s25+s29], $0x1, s24, s29, $0xb8;
	[tilespmem:$0x1FDA8] =	vst v63  }
0xf8: {  	_ =	swait.ge [sflag:s4], $0x200  }
0xf9: {  	[sflag:s4] =	ssyncset.done $0x0  }
0xfa: {  	s25 =	rddreg [dreg:$0xc];
	[sflag:s4] =	ssyncadd.s32 $0xFFFFFE00  }
0xfb: {  	[hbm4b:s25+s1] =	stream.linear.scatter [tilespmem:s23], [sflag:$0x5], $0x200, $0x38;
	[tilespmem:$0x1FDA8] =	vst v63  }
0xfc: {  	_ =	swait.ge [sflag:s4], $0x200  }
0xfd: {  	[sflag:s4] =	ssyncset.done $0x0  }
0xfe: {  	[sflag:s4] =	ssyncadd.s32 $0xFFFFFE00  }
0xff: {  	[bflag:$0x0] =	sbarrier.arrive $0xFFFF  }
0x100: {  	s0 =	rddreg [dreg:$0xd]  }
0x101: {  	[tilespmem:s14], [sflag:$0x1] =	stream.linear.gather [hbm4b:s0+s1], $0x3200, $0x38;
	[tilespmem:$0x1FDA8] =	vst v63  }
0x102: {  	s25 =	rddreg [dreg:$0xe]  }
0x103: {  	[tilespmem:s6], [sflag:$0x2] =	stream.linear.gather [hbm4b:s25+s1], $0x3200, $0x38;
	[tilespmem:$0x1FDA8] =	vst v63  }
0x104: {  	_ =	swait.ge [sflag:s17], $0x3200  }
0x105: {  	[sflag:s17] =	ssyncset.done $0x0  }
0x106: {  	[sflag:s17] =	ssyncadd.s32 $0xFFFFCE00  }
0x107: {  	[tilespmem:s15], [sflag:$0x5] =	stream.indirect.gather [spmem:s2], $0x1, s14, s8, $0xb8;
	[tilespmem:$0x1FDA8] =	vst v63  }
0x108: {  	_ =	swait.ge [sflag:s4], $0x3200  }
0x109: {  	[sflag:s4] =	ssyncset.done $0x0  }
0x10a: {  	s0 =	rddreg [dreg:$0x17];
	[sflag:s4] =	ssyncadd.s32 $0xFFFFCE00  }
0x10b: {  	[hbm4b:s0+s1] =	stream.linear.scatter [tilespmem:s15], [sflag:$0x3], $0x3200, $0x38;
	[tilespmem:$0x1FDA8] =	vst v63  }
0x10c: {  	s25 =	rddreg [dreg:$0x18]  }
0x10d: {  	[tilespmem:s14], [sflag:$0x1] =	stream.linear.gather [hbm4b:s25+s1], $0x3200, $0x38;
	[tilespmem:$0x1FDA8] =	vst v63  }
0x10e: {  	_ =	swait.ge [sflag:s13], $0x3200  }
0x10f: {  	[sflag:s13] =	ssyncset.done $0x0  }
0x110: {  	[sflag:s13] =	ssyncadd.s32 $0xFFFFCE00  }
0x111: {  	[tilespmem:s9], [sflag:$0x5] =	stream.indirect.gather [spmem:s2], $0x1, s6, s8, $0xb8;
	[tilespmem:$0x1FDA8] =	vst v63  }
0x112: {  	_ =	swait.ge [sflag:s4], $0x3200  }
0x113: {  	[sflag:s4] =	ssyncset.done $0x0  }
0x114: {  	s0 =	rddreg [dreg:$0x19];
	[sflag:s4] =	ssyncadd.s32 $0xFFFFCE00  }
0x115: {  	[hbm4b:s0+s1] =	stream.linear.scatter [tilespmem:s9], [sflag:$0x4], $0x3200, $0x38;
	[tilespmem:$0x1FDA8] =	vst v63  }
0x116: {  	s25 =	rddreg [dreg:$0x1a]  }
0x117: {  	[tilespmem:s6], [sflag:$0x2] =	stream.linear.gather [hbm4b:s25+s1], $0x3200, $0x38;
	[tilespmem:$0x1FDA8] =	vst v63  }
0x118: {  	_ =	swait.ge [sflag:s17], $0x3200  }
0x119: {  	[sflag:s17] =	ssyncset.done $0x0  }
0x11a: {  	[sflag:s17] =	ssyncadd.s32 $0xFFFFCE00  }
0x11b: {  	_ =	swait.ge [sflag:s10], $0x3200  }
0x11c: {  	[sflag:s10] =	ssyncset.done $0x0  }
0x11d: {  	[sflag:s10] =	ssyncadd.s32 $0xFFFFCE00  }
0x11e: {  	[tilespmem:s15], [sflag:$0x5] =	stream.indirect.gather [spmem:s2], $0x1, s14, s8, $0xb8;
	[tilespmem:$0x1FDA8] =	vst v63  }
0x11f: {  	_ =	swait.ge [sflag:s4], $0x3200  }
0x120: {  	[sflag:s4] =	ssyncset.done $0x0  }
0x121: {  	[sflag:s4] =	ssyncadd.s32 $0xFFFFCE00  }
0x122: {  	[hbm4b:s21+s1] =	stream.linear.scatter [tilespmem:s15], [sflag:$0x3], $0x3200, $0x38;
	[tilespmem:$0x1FDA8] =	vst v63  }
0x123: {  	_ = 	snop  }
0x124: {  	[tilespmem:s14], [sflag:$0x1] =	stream.linear.gather [hbm4b:s22+s1], $0x3200, $0x38;
	[tilespmem:$0x1FDA8] =	vst v63  }
0x125: {  	_ =	swait.ge [sflag:s13], $0x3200  }
0x126: {  	[sflag:s13] =	ssyncset.done $0x0  }
0x127: {  	[sflag:s13] =	ssyncadd.s32 $0xFFFFCE00  }
0x128: {  	_ =	swait.ge [sflag:s7], $0x3200  }
0x129: {  	[sflag:s7] =	ssyncset.done $0x0  }
0x12a: {  	[sflag:s7] =	ssyncadd.s32 $0xFFFFCE00  }
0x12b: {  	[tilespmem:s9], [sflag:$0x5] =	stream.indirect.gather [spmem:s2], $0x1, s6, s8, $0xb8;
	[tilespmem:$0x1FDA8] =	vst v63  }
0x12c: {  	_ =	swait.ge [sflag:s4], $0x3200  }
0x12d: {  	[sflag:s4] =	ssyncset.done $0x0  }
0x12e: {  	[sflag:s4] =	ssyncadd.s32 $0xFFFFCE00  }
0x12f: {  	[hbm4b:s19+s1] =	stream.linear.scatter [tilespmem:s9], [sflag:$0x4], $0x3200, $0x38;
	[tilespmem:$0x1FDA8] =	vst v63  }
0x130: {  	_ = 	snop  }
0x131: {  	[tilespmem:s6], [sflag:$0x2] =	stream.linear.gather [hbm4b:s20+s1], $0x3200, $0x38;
	[tilespmem:$0x1FDA8] =	vst v63  }
0x132: {  	_ =	swait.ge [sflag:s17], $0x3200  }
0x133: {  	[sflag:s17] =	ssyncset.done $0x0  }
0x134: {  	[sflag:s17] =	ssyncadd.s32 $0xFFFFCE00  }
0x135: {  	_ =	swait.ge [sflag:s10], $0x3200  }
0x136: {  	[sflag:s10] =	ssyncset.done $0x0  }
0x137: {  	[sflag:s10] =	ssyncadd.s32 $0xFFFFCE00  }
0x138: {  	[tilespmem:s15], [sflag:$0x5] =	stream.indirect.gather [spmem:s2], $0x1, s14, s8, $0xb8;
	[tilespmem:$0x1FDA8] =	vst v63  }
0x139: {  	_ =	swait.ge [sflag:s4], $0x3200  }
0x13a: {  	[sflag:s4] =	ssyncset.done $0x0  }
0x13b: {  	[sflag:s4] =	ssyncadd.s32 $0xFFFFCE00  }
0x13c: {  	[hbm4b:s16+s1] =	stream.linear.scatter [tilespmem:s15], [sflag:$0x3], $0x3200, $0x38;
	[tilespmem:$0x1FDA8] =	vst v63  }
0x13d: {  	_ = 	snop  }
0x13e: {  	[tilespmem:s14], [sflag:$0x1] =	stream.linear.gather [hbm4b:s18+s1], $0x3200, $0x38;
	[tilespmem:$0x1FDA8] =	vst v63  }
0x13f: {  	_ =	swait.ge [sflag:s13], $0x3200  }
0x140: {  	[sflag:s13] =	ssyncset.done $0x0  }
0x141: {  	[sflag:s13] =	ssyncadd.s32 $0xFFFFCE00  }
0x142: {  	_ =	swait.ge [sflag:s7], $0x3200  }
0x143: {  	[sflag:s7] =	ssyncset.done $0x0  }
0x144: {  	[sflag:s7] =	ssyncadd.s32 $0xFFFFCE00  }
0x145: {  	[tilespmem:s9], [sflag:$0x5] =	stream.indirect.gather [spmem:s2], $0x1, s6, s8, $0xb8;
	[tilespmem:$0x1FDA8] =	vst v63  }
0x146: {  	_ =	swait.ge [sflag:s4], $0x3200  }
0x147: {  	[sflag:s4] =	ssyncset.done $0x0  }
0x148: {  	[sflag:s4] =	ssyncadd.s32 $0xFFFFCE00  }
0x149: {  	[hbm4b:s11+s1] =	stream.linear.scatter [tilespmem:s9], [sflag:$0x4], $0x3200, $0x38;
	[tilespmem:$0x1FDA8] =	vst v63  }
0x14a: {  	_ = 	snop  }
0x14b: {  	[tilespmem:s6], [sflag:$0x2] =	stream.linear.gather [hbm4b:s12+s1], $0x3200, $0x38;
	[tilespmem:$0x1FDA8] =	vst v63  }
0x14c: {  	_ =	swait.ge [sflag:s17], $0x3200  }
0x14d: {  	[sflag:s17] =	ssyncset.done $0x0  }
0x14e: {  	[sflag:s17] =	ssyncadd.s32 $0xFFFFCE00  }
0x14f: {  	_ =	swait.ge [sflag:s10], $0x3200  }
0x150: {  	[sflag:s10] =	ssyncset.done $0x0  }
0x151: {  	[sflag:s10] =	ssyncadd.s32 $0xFFFFCE00  }
0x152: {  	[tilespmem:s15], [sflag:$0x5] =	stream.indirect.gather [spmem:s2], $0x1, s14, s8, $0xb8;
	[tilespmem:$0x1FDA8] =	vst v63  }
0x153: {  	_ =	swait.ge [sflag:s4], $0x3200  }
0x154: {  	[sflag:s4] =	ssyncset.done $0x0  }
0x155: {  	[sflag:s4] =	ssyncadd.s32 $0xFFFFCE00  }
0x156: {  	[hbm4b:s5+s1] =	stream.linear.scatter [tilespmem:s15], [sflag:$0x3], $0x3200, $0x38;
	[tilespmem:$0x1FDA8] =	vst v63  }
0x157: {  	_ =	swait.ge [sflag:s13], $0x3200  }
0x158: {  	[sflag:s13] =	ssyncset.done $0x0  }
0x159: {  	[sflag:s13] =	ssyncadd.s32 $0xFFFFCE00  }
0x15a: {  	_ =	swait.ge [sflag:s7], $0x3200  }
0x15b: {  	[sflag:s7] =	ssyncset.done $0x0  }
0x15c: {  	[sflag:s7] =	ssyncadd.s32 $0xFFFFCE00  }
0x15d: {  	[tilespmem:s9], [sflag:$0x5] =	stream.indirect.gather [spmem:s2], $0x1, s6, s8, $0xb8;
	[tilespmem:$0x1FDA8] =	vst v63  }
0x15e: {  	_ =	swait.ge [sflag:s4], $0x3200  }
0x15f: {  	s31 =	sadd.s32 $0xFFFFFFFF, s31;
	[sflag:s4] =	ssyncset.done $0x0  }
0x160: {  	p2 =	sne.s32 s31, $0x0;
	[sflag:s4] =	ssyncadd.s32 $0xFFFFCE00  }
0x161: {  	[hbm4b:s3+s1] =	stream.linear.scatter [tilespmem:s9], [sflag:$0x4], $0x3200, $0x38;
	[tilespmem:$0x1FDA8] =	vst v63  }
.Ltmp2:
0x162: {  	_ =	swait.ge [sflag:s10], $0x3200;
	(pc) =	sbr.rel @p2 .LBB2_3-.Ltmp2, $4  }
0x163: {  	[sflag:s10] =	ssyncset.done $0x0  }
0x164: {  	[sflag:s10] =	ssyncadd.s32 $0xFFFFCE00  }
0x165: {  	_ =	swait.ge [sflag:s7], $0x3200  }
0x166: {  	s0 =	rddreg [dreg:$0xf];
	[sflag:s7] =	ssyncset.done $0x0  }
0x167: {  	s28 =	rddreg [dreg:$0x7];
	s29 =	simm.s32 $0x200  }
.LBB2_5:
0x168: {  	[sflag:s7] =	ssyncadd.s32 @p1 $0xFFFFCE00  }
0x169: {  	[tilespmem:s26], [sflag:$0x5] =	stream.linear.gather [hbm4b:s0+s1], $0x3D08, $0x38;
	[tilespmem:$0x1FDA8] =	vst v63  }
0x16a: {  	_ =	swait.ge [sflag:s4], $0x3D08  }
0x16b: {  	[sflag:s4] =	ssyncset.done $0x0  }
0x16c: {  	s25 =	rddreg [dreg:$0x10];
	[sflag:s4] =	ssyncadd.s32 $0xFFFFC2F8  }
0x16d: {  	[spmem:s25] =	stream.linear.scatter [tilespmem:s26], [sflag:$0x5], $0x3D08, $0x38;
	[tilespmem:$0x1FDA8] =	vst v63  }
0x16e: {  	_ =	swait.ge [sflag:s4], $0x3D08  }
0x16f: {  	[sflag:s4] =	ssyncset.done $0x0  }
0x170: {  	s30 =	rddreg [dreg:$0x11];
	[sflag:s4] =	ssyncadd.s32 $0xFFFFC2F8  }
0x171: {  	[tilespmem:s26], [sflag:$0x5] =	stream.linear.gather [hbm4b:s30+s1], $0x3D08, $0x38;
	[tilespmem:$0x1FDA8] =	vst v63  }
0x172: {  	_ =	swait.ge [sflag:s4], $0x3D08  }
0x173: {  	[sflag:s4] =	ssyncset.done $0x0  }
0x174: {  	s31 =	rddreg [dreg:$0x12];
	[sflag:s4] =	ssyncadd.s32 $0xFFFFC2F8  }
0x175: {  	[spmem:s31] =	stream.linear.scatter [tilespmem:s26], [sflag:$0x5], $0x3D08, $0x38;
	[tilespmem:$0x1FDA8] =	vst v63  }
0x176: {  	_ =	swait.ge [sflag:s4], $0x3D08  }
0x177: {  	[sflag:s4] =	ssyncset.done $0x0  }
0x178: {  	s25 =	rddreg [dreg:$0x13];
	[sflag:s4] =	ssyncadd.s32 $0xFFFFC2F8  }
0x179: {  	[tilespmem:s26], [sflag:$0x5] =	stream.linear.gather [hbm4b:s25+s1], $0x3D08, $0x38;
	[tilespmem:$0x1FDA8] =	vst v63  }
0x17a: {  	_ =	swait.ge [sflag:s4], $0x3D08  }
0x17b: {  	[sflag:s4] =	ssyncset.done $0x0  }
0x17c: {  	s30 =	rddreg [dreg:$0x14];
	[sflag:s4] =	ssyncadd.s32 $0xFFFFC2F8  }
0x17d: {  	[spmem:s30] =	stream.linear.scatter [tilespmem:s26], [sflag:$0x5], $0x3D08, $0x38;
	[tilespmem:$0x1FDA8] =	vst v63  }
0x17e: {  	_ =	swait.ge [sflag:s4], $0x3D08  }
0x17f: {  	[sflag:s4] =	ssyncset.done $0x0  }
0x180: {  	s31 =	rddreg [dreg:$0x15];
	[sflag:s4] =	ssyncadd.s32 $0xFFFFC2F8  }
0x181: {  	[tilespmem:s26], [sflag:$0x5] =	stream.linear.gather [hbm4b:s31+s1], $0x3D08, $0x38;
	[tilespmem:$0x1FDA8] =	vst v63  }
0x182: {  	_ =	swait.ge [sflag:s4], $0x3D08  }
0x183: {  	[sflag:s4] =	ssyncset.done $0x0  }
0x184: {  	s25 =	rddreg [dreg:$0x16];
	[sflag:s4] =	ssyncadd.s32 $0xFFFFC2F8  }
0x185: {  	[spmem:s25] =	stream.linear.scatter [tilespmem:s26], [sflag:$0x5], $0x3D08, $0x38;
	[tilespmem:$0x1FDA8] =	vst v63  }
0x186: {  	_ =	swait.ge [sflag:s4], $0x3D08  }
0x187: {  	s25 =	simm.s32 @!p0 $0x0;
	[sflag:s4] =	ssyncset.done $0x0  }
0x188: {  	s26 =	simm.s32 @!p0 $0x1C028;
	s0 =	rddreg [dreg:$0x9];
	[sflag:s4] =	ssyncadd.s32 $0xFFFFC2F8  }
0x189: {  	[tilespmem:s26], [sflag:$0x5] =	stream.linear.gather @!p0 [hbm4b:s0+s25], $0x40, $0x38;
	[tilespmem:$0x1FDA8] =	vst v63  }
0x18a: {  	s0 =	simm.s32 @!p0 $0x5  }
0x18b: {  	_ =	swait.ge @!p0 [sflag:s0], $0x40  }
0x18c: {  	[sflag:s0] =	ssyncset.done @!p0 $0x0  }
0x18d: {  	s25 =	rddreg [dreg:$0xa];
	[sflag:s0] =	ssyncadd.s32 @!p0 $0xFFFFFFC0  }
0x18e: {  	[spmem:s25] =	stream.linear.scatter @!p0 [tilespmem:s26], [sflag:$0x5], $0x40, $0x38;
	[tilespmem:$0x1FDA8] =	vst v63  }
0x18f: {  	_ =	swait.ge @!p0 [sflag:s0], $0x40  }
0x190: {  	[sflag:s0] =	ssyncset.done @!p0 $0x0  }
0x191: {  	s26 =	rddreg [dreg:$0xb];
	[sflag:s0] =	ssyncadd.s32 @!p0 $0xFFFFFFC0  }
0x192: {  	[tilespmem:s24], [sflag:$0x5] =	stream.linear.gather [hbm4b:s26+s1], $0x200, $0x38;
	[tilespmem:$0x1FDA8] =	vst v63  }
0x193: {  	_ =	swait.ge [sflag:s4], $0x200  }
0x194: {  	[sflag:s4] =	ssyncset.done $0x0  }
0x195: {  	s30 =	rddreg [dreg:$0x8];
	[sflag:s4] =	ssyncadd.s32 $0xFFFFFE00  }
0x196: {  	[tilespmem:s23], [sflag:$0x5] =	stream.indirect.gather [hbm4b:s30+s29], $0x1, s24, s29, $0xb8;
	[tilespmem:$0x1FDA8] =	vst v63  }
0x197: {  	_ =	swait.ge [sflag:s4], $0x200  }
0x198: {  	[sflag:s4] =	ssyncset.done $0x0  }
0x199: {  	s31 =	rddreg [dreg:$0xc];
	[sflag:s4] =	ssyncadd.s32 $0xFFFFFE00  }
0x19a: {  	[hbm4b:s31+s1] =	stream.linear.scatter [tilespmem:s23], [sflag:$0x5], $0x200, $0x38;
	[tilespmem:$0x1FDA8] =	vst v63  }
0x19b: {  	_ =	swait.ge [sflag:s4], $0x200  }
0x19c: {  	[sflag:s4] =	ssyncset.done $0x0  }
0x19d: {  	[sflag:s4] =	ssyncadd.s32 $0xFFFFFE00  }
0x19e: {  	[bflag:$0x0] =	sbarrier.arrive $0xFFFF  }
0x19f: {  	s24 =	rddreg [dreg:$0xd]  }
0x1a0: {  	[tilespmem:s14], [sflag:$0x1] =	stream.linear.gather [hbm4b:s24+s1], $0x3200, $0x38;
	[tilespmem:$0x1FDA8] =	vst v63  }
0x1a1: {  	s25 =	rddreg [dreg:$0xe]  }
0x1a2: {  	[tilespmem:s6], [sflag:$0x2] =	stream.linear.gather [hbm4b:s25+s1], $0x3200, $0x38;
	[tilespmem:$0x1FDA8] =	vst v63  }
0x1a3: {  	_ =	swait.ge [sflag:s17], $0x3200  }
0x1a4: {  	[sflag:s17] =	ssyncset.done $0x0  }
0x1a5: {  	[sflag:s17] =	ssyncadd.s32 $0xFFFFCE00  }
0x1a6: {  	[tilespmem:s15], [sflag:$0x5] =	stream.indirect.gather [spmem:s2], $0x1, s14, s8, $0xb8;
	[tilespmem:$0x1FDA8] =	vst v63  }
0x1a7: {  	_ =	swait.ge [sflag:s4], $0x3200  }
0x1a8: {  	[sflag:s4] =	ssyncset.done $0x0  }
0x1a9: {  	s26 =	rddreg [dreg:$0x17];
	[sflag:s4] =	ssyncadd.s32 $0xFFFFCE00  }
0x1aa: {  	[hbm4b:s26+s1] =	stream.linear.scatter [tilespmem:s15], [sflag:$0x3], $0x3200, $0x38;
	[tilespmem:$0x1FDA8] =	vst v63  }
0x1ab: {  	s29 =	rddreg [dreg:$0x18]  }
0x1ac: {  	[tilespmem:s14], [sflag:$0x1] =	stream.linear.gather [hbm4b:s29+s1], $0x3200, $0x38;
	[tilespmem:$0x1FDA8] =	vst v63  }
0x1ad: {  	_ =	swait.ge [sflag:s13], $0x3200  }
0x1ae: {  	[sflag:s13] =	ssyncset.done $0x0  }
0x1af: {  	[sflag:s13] =	ssyncadd.s32 $0xFFFFCE00  }
0x1b0: {  	[tilespmem:s9], [sflag:$0x5] =	stream.indirect.gather [spmem:s2], $0x1, s6, s8, $0xb8;
	[tilespmem:$0x1FDA8] =	vst v63  }
0x1b1: {  	_ =	swait.ge [sflag:s4], $0x3200  }
0x1b2: {  	[sflag:s4] =	ssyncset.done $0x0  }
0x1b3: {  	s30 =	rddreg [dreg:$0x19];
	[sflag:s4] =	ssyncadd.s32 $0xFFFFCE00  }
0x1b4: {  	[hbm4b:s30+s1] =	stream.linear.scatter [tilespmem:s9], [sflag:$0x4], $0x3200, $0x38;
	[tilespmem:$0x1FDA8] =	vst v63  }
0x1b5: {  	s31 =	rddreg [dreg:$0x1a]  }
0x1b6: {  	[tilespmem:s6], [sflag:$0x2] =	stream.linear.gather [hbm4b:s31+s1], $0x3200, $0x38;
	[tilespmem:$0x1FDA8] =	vst v63  }
0x1b7: {  	_ =	swait.ge [sflag:s17], $0x3200  }
0x1b8: {  	[sflag:s17] =	ssyncset.done $0x0  }
0x1b9: {  	[sflag:s17] =	ssyncadd.s32 $0xFFFFCE00  }
0x1ba: {  	_ =	swait.ge [sflag:s10], $0x3200  }
0x1bb: {  	[sflag:s10] =	ssyncset.done $0x0  }
0x1bc: {  	[sflag:s10] =	ssyncadd.s32 $0xFFFFCE00  }
0x1bd: {  	[tilespmem:s15], [sflag:$0x5] =	stream.indirect.gather [spmem:s2], $0x1, s14, s8, $0xb8;
	[tilespmem:$0x1FDA8] =	vst v63  }
0x1be: {  	_ =	swait.ge [sflag:s4], $0x3200  }
0x1bf: {  	[sflag:s4] =	ssyncset.done $0x0  }
0x1c0: {  	[sflag:s4] =	ssyncadd.s32 $0xFFFFCE00  }
0x1c1: {  	[hbm4b:s21+s1] =	stream.linear.scatter [tilespmem:s15], [sflag:$0x3], $0x3200, $0x38;
	[tilespmem:$0x1FDA8] =	vst v63  }
0x1c2: {  	_ = 	snop  }
0x1c3: {  	[tilespmem:s14], [sflag:$0x1] =	stream.linear.gather [hbm4b:s22+s1], $0x3200, $0x38;
	[tilespmem:$0x1FDA8] =	vst v63  }
0x1c4: {  	_ =	swait.ge [sflag:s13], $0x3200  }
0x1c5: {  	[sflag:s13] =	ssyncset.done $0x0  }
0x1c6: {  	[sflag:s13] =	ssyncadd.s32 $0xFFFFCE00  }
0x1c7: {  	_ =	swait.ge [sflag:s7], $0x3200  }
0x1c8: {  	[sflag:s7] =	ssyncset.done $0x0  }
0x1c9: {  	[sflag:s7] =	ssyncadd.s32 $0xFFFFCE00  }
0x1ca: {  	[tilespmem:s9], [sflag:$0x5] =	stream.indirect.gather [spmem:s2], $0x1, s6, s8, $0xb8;
	[tilespmem:$0x1FDA8] =	vst v63  }
0x1cb: {  	_ =	swait.ge [sflag:s4], $0x3200  }
0x1cc: {  	[sflag:s4] =	ssyncset.done $0x0  }
0x1cd: {  	[sflag:s4] =	ssyncadd.s32 $0xFFFFCE00  }
0x1ce: {  	[hbm4b:s19+s1] =	stream.linear.scatter [tilespmem:s9], [sflag:$0x4], $0x3200, $0x38;
	[tilespmem:$0x1FDA8] =	vst v63  }
0x1cf: {  	_ = 	snop  }
0x1d0: {  	[tilespmem:s6], [sflag:$0x2] =	stream.linear.gather [hbm4b:s20+s1], $0x3200, $0x38;
	[tilespmem:$0x1FDA8] =	vst v63  }
0x1d1: {  	_ =	swait.ge [sflag:s17], $0x3200  }
0x1d2: {  	[sflag:s17] =	ssyncset.done $0x0  }
0x1d3: {  	[sflag:s17] =	ssyncadd.s32 $0xFFFFCE00  }
0x1d4: {  	_ =	swait.ge [sflag:s10], $0x3200  }
0x1d5: {  	[sflag:s10] =	ssyncset.done $0x0  }
0x1d6: {  	[sflag:s10] =	ssyncadd.s32 $0xFFFFCE00  }
0x1d7: {  	[tilespmem:s15], [sflag:$0x5] =	stream.indirect.gather [spmem:s2], $0x1, s14, s8, $0xb8;
	[tilespmem:$0x1FDA8] =	vst v63  }
0x1d8: {  	_ =	swait.ge [sflag:s4], $0x3200  }
0x1d9: {  	[sflag:s4] =	ssyncset.done $0x0  }
0x1da: {  	[sflag:s4] =	ssyncadd.s32 $0xFFFFCE00  }
0x1db: {  	[hbm4b:s16+s1] =	stream.linear.scatter [tilespmem:s15], [sflag:$0x3], $0x3200, $0x38;
	[tilespmem:$0x1FDA8] =	vst v63  }
0x1dc: {  	_ = 	snop  }
0x1dd: {  	[tilespmem:s14], [sflag:$0x1] =	stream.linear.gather [hbm4b:s18+s1], $0x3200, $0x38;
	[tilespmem:$0x1FDA8] =	vst v63  }
0x1de: {  	_ =	swait.ge [sflag:s13], $0x3200  }
0x1df: {  	[sflag:s13] =	ssyncset.done $0x0  }
0x1e0: {  	[sflag:s13] =	ssyncadd.s32 $0xFFFFCE00  }
0x1e1: {  	_ =	swait.ge [sflag:s7], $0x3200  }
0x1e2: {  	[sflag:s7] =	ssyncset.done $0x0  }
0x1e3: {  	[sflag:s7] =	ssyncadd.s32 $0xFFFFCE00  }
0x1e4: {  	[tilespmem:s9], [sflag:$0x5] =	stream.indirect.gather [spmem:s2], $0x1, s6, s8, $0xb8;
	[tilespmem:$0x1FDA8] =	vst v63  }
0x1e5: {  	_ =	swait.ge [sflag:s4], $0x3200  }
0x1e6: {  	[sflag:s4] =	ssyncset.done $0x0  }
0x1e7: {  	[sflag:s4] =	ssyncadd.s32 $0xFFFFCE00  }
0x1e8: {  	[hbm4b:s11+s1] =	stream.linear.scatter [tilespmem:s9], [sflag:$0x4], $0x3200, $0x38;
	[tilespmem:$0x1FDA8] =	vst v63  }
0x1e9: {  	_ = 	snop  }
0x1ea: {  	[tilespmem:s6], [sflag:$0x2] =	stream.linear.gather [hbm4b:s12+s1], $0x3200, $0x38;
	[tilespmem:$0x1FDA8] =	vst v63  }
0x1eb: {  	_ =	swait.ge [sflag:s17], $0x3200  }
0x1ec: {  	[sflag:s17] =	ssyncset.done $0x0  }
0x1ed: {  	[sflag:s17] =	ssyncadd.s32 $0xFFFFCE00  }
0x1ee: {  	_ =	swait.ge [sflag:s10], $0x3200  }
0x1ef: {  	[sflag:s10] =	ssyncset.done $0x0  }
0x1f0: {  	[sflag:s10] =	ssyncadd.s32 $0xFFFFCE00  }
0x1f1: {  	[tilespmem:s15], [sflag:$0x5] =	stream.indirect.gather [spmem:s2], $0x1, s14, s8, $0xb8;
	[tilespmem:$0x1FDA8] =	vst v63  }
0x1f2: {  	_ =	swait.ge [sflag:s4], $0x3200  }
0x1f3: {  	[sflag:s4] =	ssyncset.done $0x0  }
0x1f4: {  	[sflag:s4] =	ssyncadd.s32 $0xFFFFCE00  }
0x1f5: {  	[hbm4b:s5+s1] =	stream.linear.scatter [tilespmem:s15], [sflag:$0x3], $0x3200, $0x38;
	[tilespmem:$0x1FDA8] =	vst v63  }
0x1f6: {  	_ =	swait.ge [sflag:s13], $0x3200  }
0x1f7: {  	[sflag:s13] =	ssyncset.done $0x0  }
0x1f8: {  	[sflag:s13] =	ssyncadd.s32 $0xFFFFCE00  }
0x1f9: {  	_ =	swait.ge [sflag:s7], $0x3200  }
0x1fa: {  	[sflag:s7] =	ssyncset.done $0x0  }
0x1fb: {  	[sflag:s7] =	ssyncadd.s32 $0xFFFFCE00  }
0x1fc: {  	[tilespmem:s9], [sflag:$0x5] =	stream.indirect.gather [spmem:s2], $0x1, s6, s8, $0xb8;
	[tilespmem:$0x1FDA8] =	vst v63  }
0x1fd: {  	_ =	swait.ge [sflag:s4], $0x3200  }
0x1fe: {  	[sflag:s4] =	ssyncset.done $0x0  }
0x1ff: {  	[sflag:s4] =	ssyncadd.s32 $0xFFFFCE00  }
0x200: {  	[hbm4b:s3+s1] =	stream.linear.scatter [tilespmem:s9], [sflag:$0x4], $0x3200, $0x38;
	[tilespmem:$0x1FDA8] =	vst v63  }
0x201: {  	_ =	swait.ge [sflag:s10], $0x3200  }
0x202: {  	[sflag:s10] =	ssyncset.done $0x0  }
0x203: {  	[sflag:s10] =	ssyncadd.s32 $0xFFFFCE00  }
0x204: {  	_ =	swait.ge [sflag:s7], $0x3200  }
0x205: {  	[sflag:s7] =	ssyncset.done $0x0  }
0x206: {  	[sflag:s7] =	ssyncadd.s32 $0xFFFFCE00  }
0x207: {  	_ =	sfence.sel $0x180000  }
0x208: {  	[bflag:$0x0] =	sbarrier.arrive $0xFFFF  }
0x209: {  	_ =	strace $0x90000047  }
0x20a: {  	s0 =	sadd.s32 @!p0 $0x100000, s28;
	[bflag:$0x2] =	sbarrier.arrive $0xFFFF  }
0x20b: {  	[sflag:s0] =	ssyncadd.tile.s32 @!p0 $0x1;
	_ =	shalt  }
.LBB2_2:
.Ltmp3:
0x20c: {  	(pc) =	sbr.rel .LBB2_5-.Ltmp3, $2  }
0x20d: {  	_ =	sdelay $0x2  }
0x20e: {  	s28 =	rddreg [dreg:$0x7];
	s29 =	simm.s32 $0x200  }
.Lfunc_end2:
_tile_overlayer_lowered:
.L_overlay_start_2:
0x20f: {  	(tag) =	ssettag $0x2  }
0x210: {  	s0 =	rddreg [dreg:$0x0];
	s2 =	stileid.u32  }
0x211: {  	s1 =	rddreg [dreg:$0x1];
	p0 =	sne.s32 s2, $0x0  }
0x212: {  	s3 =	rddreg [dreg:$0x2];
	[bflag:$0x3] =	sbarrier.arrive $0xFFFF;
	s2 =	simm.s32 @!p0 $0x1C05  }
0x213: {  	[timem:s3], [sflag:s2] =	dma.local @!p0 [hbm:s0], s1  }
0x214: {  	s0 =	simm.s32 @!p0 $0x5  }
0x215: {  	_ =	swait.ge @!p0 [sflag:s0], s1  }
0x216: {  	s1 =	ssub.s32 @!p0 $0x0, s1;
	[sflag:s0] =	ssyncset.done @!p0 $0x0  }
0x217: {  	[sflag:s0] =	ssyncadd.s32 @!p0 s1  }
0x218: {  	[bflag:$0x3] =	sbarrier.arrive $0xFFFF  }
0x219: {  	_ =	shalt  }

</sc_bundles>
